<compile_context>
chip_gen: v7x
topology: tpu7x:2x2x1
jax: 0.10.2.dev20260603
libtpu: 0.0.44.dev20260713+nightly
codegen_flags: <defaults>
</compile_context>

<pallas_src>
import functools

import jax
import jax.numpy as jnp
from jax import lax
from jax.experimental import pallas as pl
from jax.experimental.pallas import tpu as pltpu
from jax.experimental.pallas import tpu_sc as plsc

_NUM_CORES = 2
_NUM_SUBCORES = 16
_NW = _NUM_CORES * _NUM_SUBCORES
_LANES = 16
_GROUP = 8


@functools.partial(jax.jit, static_argnums=(2, 3, 4))
def _sc_gather(table, idx_p, N, L, D):
    LP = idx_p.shape[1]
    r_per_w = N // _NW
    HALF = r_per_w // 2
    n_half = HALF * L
    CH = 1600
    n_ch = n_half // CH
    n_grp = HALF // _GROUP
    PER_G = _GROUP * L // _LANES
    mesh = plsc.VectorSubcoreMesh(core_axis_name="c", subcore_axis_name="s")

    @functools.partial(
        pl.kernel,
        out_type=jax.ShapeDtypeStruct((N * L, D), jnp.float32),
        mesh=mesh,
        compiler_params=pltpu.CompilerParams(
            use_tc_tiling_on_sc=False, needs_layout_passes=False
        ),
        scratch_types=[
            pltpu.VMEM((HALF, LP), jnp.int32),
            pltpu.VMEM((n_half,), jnp.int32),
            pltpu.VMEM((CH, D), jnp.float32),
            pltpu.SemaphoreType.DMA,
        ],
    )
    def gather_kernel(t_hbm, idx_hbm, out_hbm, slab_v, idxc_v, rows_v, sem):
        wid = lax.axis_index("s") * _NUM_CORES + lax.axis_index("c")
        rbase = wid * r_per_w
        lane = lax.iota(jnp.int32, _LANES)
        row_off = []
        col_off = []
        for t in range(PER_G):
            b0 = (_LANES * t) // L
            r = (_LANES * t) % L
            if r + _LANES <= L:
                row_off.append(lane * 0 + b0)
                col_off.append(lane + r)
            else:
                cross = L - r
                in_first = lane < cross
                row_off.append(
                    jnp.where(in_first, b0, b0 + 1).astype(jnp.int32)
                )
                col_off.append(jnp.where(in_first, lane + r, lane - cross))

        for h in range(2):
            pltpu.sync_copy(idx_hbm.at[pl.ds(rbase + h * HALF, HALF)], slab_v)

            def compact(j, carry):
                r0 = j * _GROUP
                p0 = j * (_GROUP * L)
                for t in range(PER_G):
                    vals = plsc.load_gather(
                        slab_v, [r0 + row_off[t], col_off[t]]
                    )
                    idxc_v[pl.ds(p0 + t * _LANES, _LANES)] = vals
                return carry

            lax.fori_loop(0, n_grp, compact, 0)

            def body(c, carry):
                off = c * CH
                pltpu.async_copy(
                    t_hbm.at[idxc_v.at[pl.ds(off, CH)]], rows_v, sem
                ).wait()
                pltpu.sync_copy(
                    rows_v,
                    out_hbm.at[pl.ds((rbase + h * HALF) * L + off, CH)],
                )
                return carry

            lax.fori_loop(0, n_ch, body, 0)

    return gather_kernel(table, idx_p)


def _adapter_body(g_ref, w_ref, b_ref, o_ref):
    w = w_ref[...]
    bb = b_ref[...]
    for l in range(o_ref.shape[0]):
        x = g_ref[:, l, :]
        y = jnp.dot(x, w, preferred_element_type=jnp.float32) + bb
        o_ref[l, :, :] = y.T


def _adapter(g3, W, b, N, L, D):
    NB = 256
    assert N % NB == 0
    return pl.pallas_call(
        _adapter_body,
        grid=(N // NB,),
        in_specs=[
            pl.BlockSpec((NB, L, D), lambda i: (i, 0, 0)),
            pl.BlockSpec((D, D), lambda i: (0, 0)),
            pl.BlockSpec((1, D), lambda i: (0, 0)),
        ],
        out_specs=pl.BlockSpec((L, D, NB), lambda i: (0, 0, i)),
        out_shape=jax.ShapeDtypeStruct((L, D, N), jnp.float32),
    )(g3, W, b.reshape(1, D))


def kernel(indices, table, W, b):
    V, D = table.shape
    N, L = indices.shape
    idx_p = jnp.pad(indices.astype(jnp.int32), ((0, 0), (0, 128 - L)))
    g = _sc_gather(table, idx_p, N, L, D)
    g3 = g.reshape(N, L, D)
    out_t = _adapter(g3, W, b, N, L, D)
    return jnp.transpose(out_t, (2, 0, 1))

# --- scband reference (transcript-rebuilt; emitter-appended) ---
"""Pipeline reference for scband-embedding2-31799937860133 (READ-ONLY COPY).

The authoritative reference and input builder live on the scoring server;
editing this copy changes nothing except your own understanding.
"""

import jax, jax.numpy as jnp
import numpy as np

VOCAB = 1000000
DIM = 32

def setup_inputs(seed: int = 0) -> dict:
    key = jax.random.key(seed)
    k1, k2, k3 = jax.random.split(key, 3)
    indices = jax.random.randint(k1, (16384, 50), 0, VOCAB)
    table = jax.random.normal(k2, (VOCAB, DIM), dtype=jnp.float32) * 0.02
    W = jax.random.normal(k3, (DIM, DIM), dtype=jnp.float32) * 0.05
    b = jnp.zeros((DIM,), dtype=jnp.float32)
    return {"indices": indices, "table": table, "W": W, "b": b}

def reference(indices, table, W, b):
    # Embedding2.forward: adapter(embedding(indices))
    emb = jnp.take(table, indices, axis=0)          # embedding lookup
    out = jnp.einsum('bld,do->blo', emb, W) + b      # adapter = Linear
    return out

if __name__ == "__main__":
    import jax
    _d = setup_inputs()
    print(jax.jit(kernel)(*tuple(_d.values())))

</pallas_src>

<mosaic_0001>
#map = affine_map<(d0, d1) -> (0, 0)>
module attributes {stable_mosaic.version = 14 : i64} {
  func.func @gather_kernel(%arg0: i32, %arg1: i32, %arg2: memref<1000000x32xf32, #tpu.memory_space<hbm>>, %arg3: memref<16384x128xi32, #tpu.memory_space<hbm>>, %arg4: memref<819200x32xf32, #tpu.memory_space<hbm>>, %arg5: memref<256x128xi32, #tpu.memory_space<vmem>>, %arg6: memref<12800xi32, #tpu.memory_space<vmem>>, %arg7: memref<1600x32xf32, #tpu.memory_space<vmem>>, %arg8: memref<!tpu.dma_semaphore, #tpu.memory_space<semaphore_mem>>) attributes {dimension_semantics = [#tpu.dimension_semantics<core_parallel>, #tpu.dimension_semantics<subcore_parallel>], iteration_bounds = array<i64: 2, 16>, scalar_prefetch = 0 : i64, scratch_operands = 4 : i64, tpu.core_type = #tpu.core_type<sc_vector_subcore>, window_params = [{transform_indices = #map}, {transform_indices = #map}, {transform_indices = #map}]} {
    %mul3A = arith.constant 2 : i32
    %mul3A_0 = arith.muli %arg1, %mul3A : i32
    %add3A = arith.addi %mul3A_0, %arg0 : i32
    %mul3A_1 = arith.constant 512 : i32
    %mul3A_2 = arith.muli %add3A, %mul3A_1 : i32
    %iota3A = tpu.iota {dimensions = array<i32: 0>} : vector<16xi32>
    %mul3A_3 = arith.constant 0 : i32
    %mul3A_4 = vector.broadcast %mul3A_3 : i32 to vector<16xi32>
    %mul3A_5 = arith.muli %iota3A, %mul3A_4 : vector<16xi32>
    %add3A_6 = arith.constant 0 : i32
    %add3A_7 = vector.broadcast %add3A_6 : i32 to vector<16xi32>
    %add3A_8 = arith.addi %mul3A_5, %add3A_7 : vector<16xi32>
    %add3A_9 = arith.constant 0 : i32
    %add3A_10 = vector.broadcast %add3A_9 : i32 to vector<16xi32>
    %add3A_11 = arith.addi %iota3A, %add3A_10 : vector<16xi32>
    %mul3A_12 = arith.constant 0 : i32
    %mul3A_13 = vector.broadcast %mul3A_12 : i32 to vector<16xi32>
    %mul3A_14 = arith.muli %iota3A, %mul3A_13 : vector<16xi32>
    %add3A_15 = arith.constant 0 : i32
    %add3A_16 = vector.broadcast %add3A_15 : i32 to vector<16xi32>
    %add3A_17 = arith.addi %mul3A_14, %add3A_16 : vector<16xi32>
    %add3A_18 = arith.constant 16 : i32
    %add3A_19 = vector.broadcast %add3A_18 : i32 to vector<16xi32>
    %add3A_20 = arith.addi %iota3A, %add3A_19 : vector<16xi32>
    %mul3A_21 = arith.constant 0 : i32
    %mul3A_22 = vector.broadcast %mul3A_21 : i32 to vector<16xi32>
    %mul3A_23 = arith.muli %iota3A, %mul3A_22 : vector<16xi32>
    %add3A_24 = arith.constant 0 : i32
    %add3A_25 = vector.broadcast %add3A_24 : i32 to vector<16xi32>
    %add3A_26 = arith.addi %mul3A_23, %add3A_25 : vector<16xi32>
    %add3A_27 = arith.constant 32 : i32
    %add3A_28 = vector.broadcast %add3A_27 : i32 to vector<16xi32>
    %add3A_29 = arith.addi %iota3A, %add3A_28 : vector<16xi32>
    %lt3A = arith.constant 2 : i32
    %lt3A_30 = vector.broadcast %lt3A : i32 to vector<16xi32>
    %lt3A_31 = arith.cmpi slt, %iota3A, %lt3A_30 : vector<16xi32>
    %jit3A = arith.constant 0 : i32
    %jit3A_32 = arith.constant 1 : i32
    %broadcast_in_dim3A = vector.broadcast %jit3A : i32 to vector<16xi32>
    %broadcast_in_dim3A_33 = vector.broadcast %jit3A_32 : i32 to vector<16xi32>
    %select_n3A = arith.select %lt3A_31, %broadcast_in_dim3A, %broadcast_in_dim3A_33 : vector<16xi1>, vector<16xi32>
    %add3A_34 = arith.constant 48 : i32
    %add3A_35 = vector.broadcast %add3A_34 : i32 to vector<16xi32>
    %add3A_36 = arith.addi %iota3A, %add3A_35 : vector<16xi32>
    %sub3A = arith.constant 2 : i32
    %sub3A_37 = vector.broadcast %sub3A : i32 to vector<16xi32>
    %sub3A_38 = arith.subi %iota3A, %sub3A_37 : vector<16xi32>
    %select_n3A_39 = arith.select %lt3A_31, %add3A_36, %sub3A_38 : vector<16xi1>, vector<16xi32>
    %mul3A_40 = arith.constant 0 : i32
    %mul3A_41 = vector.broadcast %mul3A_40 : i32 to vector<16xi32>
    %mul3A_42 = arith.muli %iota3A, %mul3A_41 : vector<16xi32>
    %add3A_43 = arith.constant 1 : i32
    %add3A_44 = vector.broadcast %add3A_43 : i32 to vector<16xi32>
    %add3A_45 = arith.addi %mul3A_42, %add3A_44 : vector<16xi32>
    %add3A_46 = arith.constant 14 : i32
    %add3A_47 = vector.broadcast %add3A_46 : i32 to vector<16xi32>
    %add3A_48 = arith.addi %iota3A, %add3A_47 : vector<16xi32>
    %mul3A_49 = arith.constant 0 : i32
    %mul3A_50 = vector.broadcast %mul3A_49 : i32 to vector<16xi32>
    %mul3A_51 = arith.muli %iota3A, %mul3A_50 : vector<16xi32>
    %add3A_52 = arith.constant 1 : i32
    %add3A_53 = vector.broadcast %add3A_52 : i32 to vector<16xi32>
    %add3A_54 = arith.addi %mul3A_51, %add3A_53 : vector<16xi32>
    %add3A_55 = arith.constant 30 : i32
    %add3A_56 = vector.broadcast %add3A_55 : i32 to vector<16xi32>
    %add3A_57 = arith.addi %iota3A, %add3A_56 : vector<16xi32>
    %lt3A_58 = arith.constant 4 : i32
    %lt3A_59 = vector.broadcast %lt3A_58 : i32 to vector<16xi32>
    %lt3A_60 = arith.cmpi slt, %iota3A, %lt3A_59 : vector<16xi32>
    %jit3A_61 = arith.constant 1 : i32
    %jit3A_62 = arith.constant 2 : i32
    %broadcast_in_dim3A_63 = vector.broadcast %jit3A_61 : i32 to vector<16xi32>
    %broadcast_in_dim3A_64 = vector.broadcast %jit3A_62 : i32 to vector<16xi32>
    %select_n3A_65 = arith.select %lt3A_60, %broadcast_in_dim3A_63, %broadcast_in_dim3A_64 : vector<16xi1>, vector<16xi32>
    %add3A_66 = arith.constant 46 : i32
    %add3A_67 = vector.broadcast %add3A_66 : i32 to vector<16xi32>
    %add3A_68 = arith.addi %iota3A, %add3A_67 : vector<16xi32>
    %sub3A_69 = arith.constant 4 : i32
    %sub3A_70 = vector.broadcast %sub3A_69 : i32 to vector<16xi32>
    %sub3A_71 = arith.subi %iota3A, %sub3A_70 : vector<16xi32>
    %select_n3A_72 = arith.select %lt3A_60, %add3A_68, %sub3A_71 : vector<16xi1>, vector<16xi32>
    %mul3A_73 = arith.constant 0 : i32
    %mul3A_74 = vector.broadcast %mul3A_73 : i32 to vector<16xi32>
    %mul3A_75 = arith.muli %iota3A, %mul3A_74 : vector<16xi32>
    %add3A_76 = arith.constant 2 : i32
    %add3A_77 = vector.broadcast %add3A_76 : i32 to vector<16xi32>
    %add3A_78 = arith.addi %mul3A_75, %add3A_77 : vector<16xi32>
    %add3A_79 = arith.constant 12 : i32
    %add3A_80 = vector.broadcast %add3A_79 : i32 to vector<16xi32>
    %add3A_81 = arith.addi %iota3A, %add3A_80 : vector<16xi32>
    %mul3A_82 = arith.constant 0 : i32
    %mul3A_83 = vector.broadcast %mul3A_82 : i32 to vector<16xi32>
    %mul3A_84 = arith.muli %iota3A, %mul3A_83 : vector<16xi32>
    %add3A_85 = arith.constant 2 : i32
    %add3A_86 = vector.broadcast %add3A_85 : i32 to vector<16xi32>
    %add3A_87 = arith.addi %mul3A_84, %add3A_86 : vector<16xi32>
    %add3A_88 = arith.constant 28 : i32
    %add3A_89 = vector.broadcast %add3A_88 : i32 to vector<16xi32>
    %add3A_90 = arith.addi %iota3A, %add3A_89 : vector<16xi32>
    %lt3A_91 = arith.constant 6 : i32
    %lt3A_92 = vector.broadcast %lt3A_91 : i32 to vector<16xi32>
    %lt3A_93 = arith.cmpi slt, %iota3A, %lt3A_92 : vector<16xi32>
    %jit3A_94 = arith.constant 2 : i32
    %jit3A_95 = arith.constant 3 : i32
    %broadcast_in_dim3A_96 = vector.broadcast %jit3A_94 : i32 to vector<16xi32>
    %broadcast_in_dim3A_97 = vector.broadcast %jit3A_95 : i32 to vector<16xi32>
    %select_n3A_98 = arith.select %lt3A_93, %broadcast_in_dim3A_96, %broadcast_in_dim3A_97 : vector<16xi1>, vector<16xi32>
    %add3A_99 = arith.constant 44 : i32
    %add3A_100 = vector.broadcast %add3A_99 : i32 to vector<16xi32>
    %add3A_101 = arith.addi %iota3A, %add3A_100 : vector<16xi32>
    %sub3A_102 = arith.constant 6 : i32
    %sub3A_103 = vector.broadcast %sub3A_102 : i32 to vector<16xi32>
    %sub3A_104 = arith.subi %iota3A, %sub3A_103 : vector<16xi32>
    %select_n3A_105 = arith.select %lt3A_93, %add3A_101, %sub3A_104 : vector<16xi1>, vector<16xi32>
    %mul3A_106 = arith.constant 0 : i32
    %mul3A_107 = vector.broadcast %mul3A_106 : i32 to vector<16xi32>
    %mul3A_108 = arith.muli %iota3A, %mul3A_107 : vector<16xi32>
    %add3A_109 = arith.constant 3 : i32
    %add3A_110 = vector.broadcast %add3A_109 : i32 to vector<16xi32>
    %add3A_111 = arith.addi %mul3A_108, %add3A_110 : vector<16xi32>
    %add3A_112 = arith.constant 10 : i32
    %add3A_113 = vector.broadcast %add3A_112 : i32 to vector<16xi32>
    %add3A_114 = arith.addi %iota3A, %add3A_113 : vector<16xi32>
    %mul3A_115 = arith.constant 0 : i32
    %mul3A_116 = vector.broadcast %mul3A_115 : i32 to vector<16xi32>
    %mul3A_117 = arith.muli %iota3A, %mul3A_116 : vector<16xi32>
    %add3A_118 = arith.constant 3 : i32
    %add3A_119 = vector.broadcast %add3A_118 : i32 to vector<16xi32>
    %add3A_120 = arith.addi %mul3A_117, %add3A_119 : vector<16xi32>
    %add3A_121 = arith.constant 26 : i32
    %add3A_122 = vector.broadcast %add3A_121 : i32 to vector<16xi32>
    %add3A_123 = arith.addi %iota3A, %add3A_122 : vector<16xi32>
    %lt3A_124 = arith.constant 8 : i32
    %lt3A_125 = vector.broadcast %lt3A_124 : i32 to vector<16xi32>
    %lt3A_126 = arith.cmpi slt, %iota3A, %lt3A_125 : vector<16xi32>
    %jit3A_127 = arith.constant 3 : i32
    %jit3A_128 = arith.constant 4 : i32
    %broadcast_in_dim3A_129 = vector.broadcast %jit3A_127 : i32 to vector<16xi32>
    %broadcast_in_dim3A_130 = vector.broadcast %jit3A_128 : i32 to vector<16xi32>
    %select_n3A_131 = arith.select %lt3A_126, %broadcast_in_dim3A_129, %broadcast_in_dim3A_130 : vector<16xi1>, vector<16xi32>
    %add3A_132 = arith.constant 42 : i32
    %add3A_133 = vector.broadcast %add3A_132 : i32 to vector<16xi32>
    %add3A_134 = arith.addi %iota3A, %add3A_133 : vector<16xi32>
    %sub3A_135 = arith.constant 8 : i32
    %sub3A_136 = vector.broadcast %sub3A_135 : i32 to vector<16xi32>
    %sub3A_137 = arith.subi %iota3A, %sub3A_136 : vector<16xi32>
    %select_n3A_138 = arith.select %lt3A_126, %add3A_134, %sub3A_137 : vector<16xi1>, vector<16xi32>
    %mul3A_139 = arith.constant 0 : i32
    %mul3A_140 = vector.broadcast %mul3A_139 : i32 to vector<16xi32>
    %mul3A_141 = arith.muli %iota3A, %mul3A_140 : vector<16xi32>
    %add3A_142 = arith.constant 4 : i32
    %add3A_143 = vector.broadcast %add3A_142 : i32 to vector<16xi32>
    %add3A_144 = arith.addi %mul3A_141, %add3A_143 : vector<16xi32>
    %add3A_145 = arith.constant 8 : i32
    %add3A_146 = vector.broadcast %add3A_145 : i32 to vector<16xi32>
    %add3A_147 = arith.addi %iota3A, %add3A_146 : vector<16xi32>
    %mul3A_148 = arith.constant 0 : i32
    %mul3A_149 = vector.broadcast %mul3A_148 : i32 to vector<16xi32>
    %mul3A_150 = arith.muli %iota3A, %mul3A_149 : vector<16xi32>
    %add3A_151 = arith.constant 4 : i32
    %add3A_152 = vector.broadcast %add3A_151 : i32 to vector<16xi32>
    %add3A_153 = arith.addi %mul3A_150, %add3A_152 : vector<16xi32>
    %add3A_154 = arith.constant 24 : i32
    %add3A_155 = vector.broadcast %add3A_154 : i32 to vector<16xi32>
    %add3A_156 = arith.addi %iota3A, %add3A_155 : vector<16xi32>
    %lt3A_157 = arith.constant 10 : i32
    %lt3A_158 = vector.broadcast %lt3A_157 : i32 to vector<16xi32>
    %lt3A_159 = arith.cmpi slt, %iota3A, %lt3A_158 : vector<16xi32>
    %jit3A_160 = arith.constant 4 : i32
    %jit3A_161 = arith.constant 5 : i32
    %broadcast_in_dim3A_162 = vector.broadcast %jit3A_160 : i32 to vector<16xi32>
    %broadcast_in_dim3A_163 = vector.broadcast %jit3A_161 : i32 to vector<16xi32>
    %select_n3A_164 = arith.select %lt3A_159, %broadcast_in_dim3A_162, %broadcast_in_dim3A_163 : vector<16xi1>, vector<16xi32>
    %add3A_165 = arith.constant 40 : i32
    %add3A_166 = vector.broadcast %add3A_165 : i32 to vector<16xi32>
    %add3A_167 = arith.addi %iota3A, %add3A_166 : vector<16xi32>
    %sub3A_168 = arith.constant 10 : i32
    %sub3A_169 = vector.broadcast %sub3A_168 : i32 to vector<16xi32>
    %sub3A_170 = arith.subi %iota3A, %sub3A_169 : vector<16xi32>
    %select_n3A_171 = arith.select %lt3A_159, %add3A_167, %sub3A_170 : vector<16xi1>, vector<16xi32>
    %mul3A_172 = arith.constant 0 : i32
    %mul3A_173 = vector.broadcast %mul3A_172 : i32 to vector<16xi32>
    %mul3A_174 = arith.muli %iota3A, %mul3A_173 : vector<16xi32>
    %add3A_175 = arith.constant 5 : i32
    %add3A_176 = vector.broadcast %add3A_175 : i32 to vector<16xi32>
    %add3A_177 = arith.addi %mul3A_174, %add3A_176 : vector<16xi32>
    %add3A_178 = arith.constant 6 : i32
    %add3A_179 = vector.broadcast %add3A_178 : i32 to vector<16xi32>
    %add3A_180 = arith.addi %iota3A, %add3A_179 : vector<16xi32>
    %mul3A_181 = arith.constant 0 : i32
    %mul3A_182 = vector.broadcast %mul3A_181 : i32 to vector<16xi32>
    %mul3A_183 = arith.muli %iota3A, %mul3A_182 : vector<16xi32>
    %add3A_184 = arith.constant 5 : i32
    %add3A_185 = vector.broadcast %add3A_184 : i32 to vector<16xi32>
    %add3A_186 = arith.addi %mul3A_183, %add3A_185 : vector<16xi32>
    %add3A_187 = arith.constant 22 : i32
    %add3A_188 = vector.broadcast %add3A_187 : i32 to vector<16xi32>
    %add3A_189 = arith.addi %iota3A, %add3A_188 : vector<16xi32>
    %lt3A_190 = arith.constant 12 : i32
    %lt3A_191 = vector.broadcast %lt3A_190 : i32 to vector<16xi32>
    %lt3A_192 = arith.cmpi slt, %iota3A, %lt3A_191 : vector<16xi32>
    %jit3A_193 = arith.constant 5 : i32
    %jit3A_194 = arith.constant 6 : i32
    %broadcast_in_dim3A_195 = vector.broadcast %jit3A_193 : i32 to vector<16xi32>
    %broadcast_in_dim3A_196 = vector.broadcast %jit3A_194 : i32 to vector<16xi32>
    %select_n3A_197 = arith.select %lt3A_192, %broadcast_in_dim3A_195, %broadcast_in_dim3A_196 : vector<16xi1>, vector<16xi32>
    %add3A_198 = arith.constant 38 : i32
    %add3A_199 = vector.broadcast %add3A_198 : i32 to vector<16xi32>
    %add3A_200 = arith.addi %iota3A, %add3A_199 : vector<16xi32>
    %sub3A_201 = arith.constant 12 : i32
    %sub3A_202 = vector.broadcast %sub3A_201 : i32 to vector<16xi32>
    %sub3A_203 = arith.subi %iota3A, %sub3A_202 : vector<16xi32>
    %select_n3A_204 = arith.select %lt3A_192, %add3A_200, %sub3A_203 : vector<16xi1>, vector<16xi32>
    %mul3A_205 = arith.constant 0 : i32
    %mul3A_206 = vector.broadcast %mul3A_205 : i32 to vector<16xi32>
    %mul3A_207 = arith.muli %iota3A, %mul3A_206 : vector<16xi32>
    %add3A_208 = arith.constant 6 : i32
    %add3A_209 = vector.broadcast %add3A_208 : i32 to vector<16xi32>
    %add3A_210 = arith.addi %mul3A_207, %add3A_209 : vector<16xi32>
    %add3A_211 = arith.constant 4 : i32
    %add3A_212 = vector.broadcast %add3A_211 : i32 to vector<16xi32>
    %add3A_213 = arith.addi %iota3A, %add3A_212 : vector<16xi32>
    %mul3A_214 = arith.constant 0 : i32
    %mul3A_215 = vector.broadcast %mul3A_214 : i32 to vector<16xi32>
    %mul3A_216 = arith.muli %iota3A, %mul3A_215 : vector<16xi32>
    %add3A_217 = arith.constant 6 : i32
    %add3A_218 = vector.broadcast %add3A_217 : i32 to vector<16xi32>
    %add3A_219 = arith.addi %mul3A_216, %add3A_218 : vector<16xi32>
    %add3A_220 = arith.constant 20 : i32
    %add3A_221 = vector.broadcast %add3A_220 : i32 to vector<16xi32>
    %add3A_222 = arith.addi %iota3A, %add3A_221 : vector<16xi32>
    %lt3A_223 = arith.constant 14 : i32
    %lt3A_224 = vector.broadcast %lt3A_223 : i32 to vector<16xi32>
    %lt3A_225 = arith.cmpi slt, %iota3A, %lt3A_224 : vector<16xi32>
    %jit3A_226 = arith.constant 6 : i32
    %jit3A_227 = arith.constant 7 : i32
    %broadcast_in_dim3A_228 = vector.broadcast %jit3A_226 : i32 to vector<16xi32>
    %broadcast_in_dim3A_229 = vector.broadcast %jit3A_227 : i32 to vector<16xi32>
    %select_n3A_230 = arith.select %lt3A_225, %broadcast_in_dim3A_228, %broadcast_in_dim3A_229 : vector<16xi1>, vector<16xi32>
    %add3A_231 = arith.constant 36 : i32
    %add3A_232 = vector.broadcast %add3A_231 : i32 to vector<16xi32>
    %add3A_233 = arith.addi %iota3A, %add3A_232 : vector<16xi32>
    %sub3A_234 = arith.constant 14 : i32
    %sub3A_235 = vector.broadcast %sub3A_234 : i32 to vector<16xi32>
    %sub3A_236 = arith.subi %iota3A, %sub3A_235 : vector<16xi32>
    %select_n3A_237 = arith.select %lt3A_225, %add3A_233, %sub3A_236 : vector<16xi1>, vector<16xi32>
    %mul3A_238 = arith.constant 0 : i32
    %mul3A_239 = vector.broadcast %mul3A_238 : i32 to vector<16xi32>
    %mul3A_240 = arith.muli %iota3A, %mul3A_239 : vector<16xi32>
    %add3A_241 = arith.constant 7 : i32
    %add3A_242 = vector.broadcast %add3A_241 : i32 to vector<16xi32>
    %add3A_243 = arith.addi %mul3A_240, %add3A_242 : vector<16xi32>
    %add3A_244 = arith.constant 2 : i32
    %add3A_245 = vector.broadcast %add3A_244 : i32 to vector<16xi32>
    %add3A_246 = arith.addi %iota3A, %add3A_245 : vector<16xi32>
    %mul3A_247 = arith.constant 0 : i32
    %mul3A_248 = vector.broadcast %mul3A_247 : i32 to vector<16xi32>
    %mul3A_249 = arith.muli %iota3A, %mul3A_248 : vector<16xi32>
    %add3A_250 = arith.constant 7 : i32
    %add3A_251 = vector.broadcast %add3A_250 : i32 to vector<16xi32>
    %add3A_252 = arith.addi %mul3A_249, %add3A_251 : vector<16xi32>
    %add3A_253 = arith.constant 18 : i32
    %add3A_254 = vector.broadcast %add3A_253 : i32 to vector<16xi32>
    %add3A_255 = arith.addi %iota3A, %add3A_254 : vector<16xi32>
    %mul3A_256 = arith.constant 0 : i32
    %mul3A_257 = vector.broadcast %mul3A_256 : i32 to vector<16xi32>
    %mul3A_258 = arith.muli %iota3A, %mul3A_257 : vector<16xi32>
    %add3A_259 = arith.constant 7 : i32
    %add3A_260 = vector.broadcast %add3A_259 : i32 to vector<16xi32>
    %add3A_261 = arith.addi %mul3A_258, %add3A_260 : vector<16xi32>
    %add3A_262 = arith.constant 34 : i32
    %add3A_263 = vector.broadcast %add3A_262 : i32 to vector<16xi32>
    %add3A_264 = arith.addi %iota3A, %add3A_263 : vector<16xi32>
    %add3A_265 = arith.constant 0 : i32
    %add3A_266 = arith.addi %mul3A_2, %add3A_265 : i32
    "tpu.region"() ({
      %run_scoped3A = tpu.sem_alloc : memref<!tpu.dma_semaphore, #tpu.memory_space<semaphore_mem>>
      %dma_start3A = arith.constant 0 : i32
      %dma_start3A_292 = tpu.memref_slice %arg3[%add3A_266, %dma_start3A] : memref<16384x128xi32, #tpu.memory_space<hbm>> -> memref<256x128xi32, #tpu.memory_space<hbm>>
      %dma_start3A_293 = arith.constant 0 : i32
      %dma_start3A_294 = tpu.memref_slice %arg3[%add3A_266, %dma_start3A_293] : memref<16384x128xi32, #tpu.memory_space<hbm>> -> memref<256x128xi32, #tpu.memory_space<hbm>>
      tpu.enqueue_dma source(%dma_start3A_294 : memref<256x128xi32, #tpu.memory_space<hbm>>) target(%arg5 : memref<256x128xi32, #tpu.memory_space<vmem>>) target_semaphore(%run_scoped3A : memref<!tpu.dma_semaphore, #tpu.memory_space<semaphore_mem>>)
      %dma_wait3A = arith.constant 0 : i32
      %dma_wait3A_295 = tpu.memref_slice %arg3[%add3A_266, %dma_wait3A] : memref<16384x128xi32, #tpu.memory_space<hbm>> -> memref<256x128xi32, #tpu.memory_space<hbm>>
      %dma_wait3A_296 = arith.constant 0 : i32
      %dma_wait3A_297 = tpu.memref_slice %arg3[%add3A_266, %dma_wait3A_296] : memref<16384x128xi32, #tpu.memory_space<hbm>> -> memref<256x128xi32, #tpu.memory_space<hbm>>
      tpu.wait_dma2 semaphore(%run_scoped3A : memref<!tpu.dma_semaphore, #tpu.memory_space<semaphore_mem>>) src(%dma_wait3A_297 : memref<256x128xi32, #tpu.memory_space<hbm>>) dst(%arg5 : memref<256x128xi32, #tpu.memory_space<vmem>>)
      tpu.yield
    }) : () -> ()
    %scan3A = arith.constant 0 : i32
    %scan3A_267 = arith.constant 0 : i32
    %scan3A_268 = arith.constant 32 : i32
    %scan3A_269 = arith.addi %scan3A_267, %scan3A_268 : i32
    %scan3A_270 = arith.constant 1 : i32
    scf.for %scan3A_292 = %scan3A_267 to %scan3A_269 step %scan3A_270  : i32 {
      %mul3A_293 = arith.constant 8 : i32
      %mul3A_294 = arith.muli %scan3A_292, %mul3A_293 : i32
      %mul3A_295 = arith.constant 400 : i32
      %mul3A_296 = arith.muli %scan3A_292, %mul3A_295 : i32
      %add3A_297 = vector.broadcast %mul3A_294 : i32 to vector<16xi32>
      %add3A_298 = arith.addi %add3A_297, %add3A_8 : vector<16xi32>
      %gather3A = tpu.vector_load_idx %arg5[%add3A_298, %add3A_11] : memref<256x128xi32, #tpu.memory_space<vmem>>[vector<16xi32>, vector<16xi32>], vector<16xi32>,
      %add3A_299 = arith.constant 0 : i32
      %add3A_300 = arith.addi %mul3A_296, %add3A_299 : i32
      %swap3A = arith.index_cast %add3A_300 : i32 to index
      %swap3A_301 = tpu.vector_load %arg6[%swap3A] {strides = array<i32>} : memref<12800xi32, #tpu.memory_space<vmem>>, vector<16xi32>,
      tpu.vector_store %arg6[%swap3A], %gather3A {strides = array<i32>} : memref<12800xi32, #tpu.memory_space<vmem>>, vector<16xi32>,
      %add3A_302 = vector.broadcast %mul3A_294 : i32 to vector<16xi32>
      %add3A_303 = arith.addi %add3A_302, %add3A_17 : vector<16xi32>
      %gather3A_304 = tpu.vector_load_idx %arg5[%add3A_303, %add3A_20] : memref<256x128xi32, #tpu.memory_space<vmem>>[vector<16xi32>, vector<16xi32>], vector<16xi32>,
      %add3A_305 = arith.constant 16 : i32
      %add3A_306 = arith.addi %mul3A_296, %add3A_305 : i32
      %swap3A_307 = arith.index_cast %add3A_306 : i32 to index
      %swap3A_308 = tpu.vector_load %arg6[%swap3A_307] {strides = array<i32>} : memref<12800xi32, #tpu.memory_space<vmem>>, vector<16xi32>,
      tpu.vector_store %arg6[%swap3A_307], %gather3A_304 {strides = array<i32>} : memref<12800xi32, #tpu.memory_space<vmem>>, vector<16xi32>,
      %add3A_309 = vector.broadcast %mul3A_294 : i32 to vector<16xi32>
      %add3A_310 = arith.addi %add3A_309, %add3A_26 : vector<16xi32>
      %gather3A_311 = tpu.vector_load_idx %arg5[%add3A_310, %add3A_29] : memref<256x128xi32, #tpu.memory_space<vmem>>[vector<16xi32>, vector<16xi32>], vector<16xi32>,
      %add3A_312 = arith.constant 32 : i32
      %add3A_313 = arith.addi %mul3A_296, %add3A_312 : i32
      %swap3A_314 = arith.index_cast %add3A_313 : i32 to index
      %swap3A_315 = tpu.vector_load %arg6[%swap3A_314] {strides = array<i32>} : memref<12800xi32, #tpu.memory_space<vmem>>, vector<16xi32>,
      tpu.vector_store %arg6[%swap3A_314], %gather3A_311 {strides = array<i32>} : memref<12800xi32, #tpu.memory_space<vmem>>, vector<16xi32>,
      %add3A_316 = vector.broadcast %mul3A_294 : i32 to vector<16xi32>
      %add3A_317 = arith.addi %add3A_316, %select_n3A : vector<16xi32>
      %gather3A_318 = tpu.vector_load_idx %arg5[%add3A_317, %select_n3A_39] : memref<256x128xi32, #tpu.memory_space<vmem>>[vector<16xi32>, vector<16xi32>], vector<16xi32>,
      %add3A_319 = arith.constant 48 : i32
      %add3A_320 = arith.addi %mul3A_296, %add3A_319 : i32
      %swap3A_321 = arith.index_cast %add3A_320 : i32 to index
      %swap3A_322 = tpu.vector_load %arg6[%swap3A_321] {strides = array<i32>} : memref<12800xi32, #tpu.memory_space<vmem>>, vector<16xi32>,
      tpu.vector_store %arg6[%swap3A_321], %gather3A_318 {strides = array<i32>} : memref<12800xi32, #tpu.memory_space<vmem>>, vector<16xi32>,
      %add3A_323 = vector.broadcast %mul3A_294 : i32 to vector<16xi32>
      %add3A_324 = arith.addi %add3A_323, %add3A_45 : vector<16xi32>
      %gather3A_325 = tpu.vector_load_idx %arg5[%add3A_324, %add3A_48] : memref<256x128xi32, #tpu.memory_space<vmem>>[vector<16xi32>, vector<16xi32>], vector<16xi32>,
      %add3A_326 = arith.constant 64 : i32
      %add3A_327 = arith.addi %mul3A_296, %add3A_326 : i32
      %swap3A_328 = arith.index_cast %add3A_327 : i32 to index
      %swap3A_329 = tpu.vector_load %arg6[%swap3A_328] {strides = array<i32>} : memref<12800xi32, #tpu.memory_space<vmem>>, vector<16xi32>,
      tpu.vector_store %arg6[%swap3A_328], %gather3A_325 {strides = array<i32>} : memref<12800xi32, #tpu.memory_space<vmem>>, vector<16xi32>,
      %add3A_330 = vector.broadcast %mul3A_294 : i32 to vector<16xi32>
      %add3A_331 = arith.addi %add3A_330, %add3A_54 : vector<16xi32>
      %gather3A_332 = tpu.vector_load_idx %arg5[%add3A_331, %add3A_57] : memref<256x128xi32, #tpu.memory_space<vmem>>[vector<16xi32>, vector<16xi32>], vector<16xi32>,
      %add3A_333 = arith.constant 80 : i32
      %add3A_334 = arith.addi %mul3A_296, %add3A_333 : i32
      %swap3A_335 = arith.index_cast %add3A_334 : i32 to index
      %swap3A_336 = tpu.vector_load %arg6[%swap3A_335] {strides = array<i32>} : memref<12800xi32, #tpu.memory_space<vmem>>, vector<16xi32>,
      tpu.vector_store %arg6[%swap3A_335], %gather3A_332 {strides = array<i32>} : memref<12800xi32, #tpu.memory_space<vmem>>, vector<16xi32>,
      %add3A_337 = vector.broadcast %mul3A_294 : i32 to vector<16xi32>
      %add3A_338 = arith.addi %add3A_337, %select_n3A_65 : vector<16xi32>
      %gather3A_339 = tpu.vector_load_idx %arg5[%add3A_338, %select_n3A_72] : memref<256x128xi32, #tpu.memory_space<vmem>>[vector<16xi32>, vector<16xi32>], vector<16xi32>,
      %add3A_340 = arith.constant 96 : i32
      %add3A_341 = arith.addi %mul3A_296, %add3A_340 : i32
      %swap3A_342 = arith.index_cast %add3A_341 : i32 to index
      %swap3A_343 = tpu.vector_load %arg6[%swap3A_342] {strides = array<i32>} : memref<12800xi32, #tpu.memory_space<vmem>>, vector<16xi32>,
      tpu.vector_store %arg6[%swap3A_342], %gather3A_339 {strides = array<i32>} : memref<12800xi32, #tpu.memory_space<vmem>>, vector<16xi32>,
      %add3A_344 = vector.broadcast %mul3A_294 : i32 to vector<16xi32>
      %add3A_345 = arith.addi %add3A_344, %add3A_78 : vector<16xi32>
      %gather3A_346 = tpu.vector_load_idx %arg5[%add3A_345, %add3A_81] : memref<256x128xi32, #tpu.memory_space<vmem>>[vector<16xi32>, vector<16xi32>], vector<16xi32>,
      %add3A_347 = arith.constant 112 : i32
      %add3A_348 = arith.addi %mul3A_296, %add3A_347 : i32
      %swap3A_349 = arith.index_cast %add3A_348 : i32 to index
      %swap3A_350 = tpu.vector_load %arg6[%swap3A_349] {strides = array<i32>} : memref<12800xi32, #tpu.memory_space<vmem>>, vector<16xi32>,
      tpu.vector_store %arg6[%swap3A_349], %gather3A_346 {strides = array<i32>} : memref<12800xi32, #tpu.memory_space<vmem>>, vector<16xi32>,
      %add3A_351 = vector.broadcast %mul3A_294 : i32 to vector<16xi32>
      %add3A_352 = arith.addi %add3A_351, %add3A_87 : vector<16xi32>
      %gather3A_353 = tpu.vector_load_idx %arg5[%add3A_352, %add3A_90] : memref<256x128xi32, #tpu.memory_space<vmem>>[vector<16xi32>, vector<16xi32>], vector<16xi32>,
      %add3A_354 = arith.constant 128 : i32
      %add3A_355 = arith.addi %mul3A_296, %add3A_354 : i32
      %swap3A_356 = arith.index_cast %add3A_355 : i32 to index
      %swap3A_357 = tpu.vector_load %arg6[%swap3A_356] {strides = array<i32>} : memref<12800xi32, #tpu.memory_space<vmem>>, vector<16xi32>,
      tpu.vector_store %arg6[%swap3A_356], %gather3A_353 {strides = array<i32>} : memref<12800xi32, #tpu.memory_space<vmem>>, vector<16xi32>,
      %add3A_358 = vector.broadcast %mul3A_294 : i32 to vector<16xi32>
      %add3A_359 = arith.addi %add3A_358, %select_n3A_98 : vector<16xi32>
      %gather3A_360 = tpu.vector_load_idx %arg5[%add3A_359, %select_n3A_105] : memref<256x128xi32, #tpu.memory_space<vmem>>[vector<16xi32>, vector<16xi32>], vector<16xi32>,
      %add3A_361 = arith.constant 144 : i32
      %add3A_362 = arith.addi %mul3A_296, %add3A_361 : i32
      %swap3A_363 = arith.index_cast %add3A_362 : i32 to index
      %swap3A_364 = tpu.vector_load %arg6[%swap3A_363] {strides = array<i32>} : memref<12800xi32, #tpu.memory_space<vmem>>, vector<16xi32>,
      tpu.vector_store %arg6[%swap3A_363], %gather3A_360 {strides = array<i32>} : memref<12800xi32, #tpu.memory_space<vmem>>, vector<16xi32>,
      %add3A_365 = vector.broadcast %mul3A_294 : i32 to vector<16xi32>
      %add3A_366 = arith.addi %add3A_365, %add3A_111 : vector<16xi32>
      %gather3A_367 = tpu.vector_load_idx %arg5[%add3A_366, %add3A_114] : memref<256x128xi32, #tpu.memory_space<vmem>>[vector<16xi32>, vector<16xi32>], vector<16xi32>,
      %add3A_368 = arith.constant 160 : i32
      %add3A_369 = arith.addi %mul3A_296, %add3A_368 : i32
      %swap3A_370 = arith.index_cast %add3A_369 : i32 to index
      %swap3A_371 = tpu.vector_load %arg6[%swap3A_370] {strides = array<i32>} : memref<12800xi32, #tpu.memory_space<vmem>>, vector<16xi32>,
      tpu.vector_store %arg6[%swap3A_370], %gather3A_367 {strides = array<i32>} : memref<12800xi32, #tpu.memory_space<vmem>>, vector<16xi32>,
      %add3A_372 = vector.broadcast %mul3A_294 : i32 to vector<16xi32>
      %add3A_373 = arith.addi %add3A_372, %add3A_120 : vector<16xi32>
      %gather3A_374 = tpu.vector_load_idx %arg5[%add3A_373, %add3A_123] : memref<256x128xi32, #tpu.memory_space<vmem>>[vector<16xi32>, vector<16xi32>], vector<16xi32>,
      %add3A_375 = arith.constant 176 : i32
      %add3A_376 = arith.addi %mul3A_296, %add3A_375 : i32
      %swap3A_377 = arith.index_cast %add3A_376 : i32 to index
      %swap3A_378 = tpu.vector_load %arg6[%swap3A_377] {strides = array<i32>} : memref<12800xi32, #tpu.memory_space<vmem>>, vector<16xi32>,
      tpu.vector_store %arg6[%swap3A_377], %gather3A_374 {strides = array<i32>} : memref<12800xi32, #tpu.memory_space<vmem>>, vector<16xi32>,
      %add3A_379 = vector.broadcast %mul3A_294 : i32 to vector<16xi32>
      %add3A_380 = arith.addi %add3A_379, %select_n3A_131 : vector<16xi32>
      %gather3A_381 = tpu.vector_load_idx %arg5[%add3A_380, %select_n3A_138] : memref<256x128xi32, #tpu.memory_space<vmem>>[vector<16xi32>, vector<16xi32>], vector<16xi32>,
      %add3A_382 = arith.constant 192 : i32
      %add3A_383 = arith.addi %mul3A_296, %add3A_382 : i32
      %swap3A_384 = arith.index_cast %add3A_383 : i32 to index
      %swap3A_385 = tpu.vector_load %arg6[%swap3A_384] {strides = array<i32>} : memref<12800xi32, #tpu.memory_space<vmem>>, vector<16xi32>,
      tpu.vector_store %arg6[%swap3A_384], %gather3A_381 {strides = array<i32>} : memref<12800xi32, #tpu.memory_space<vmem>>, vector<16xi32>,
      %add3A_386 = vector.broadcast %mul3A_294 : i32 to vector<16xi32>
      %add3A_387 = arith.addi %add3A_386, %add3A_144 : vector<16xi32>
      %gather3A_388 = tpu.vector_load_idx %arg5[%add3A_387, %add3A_147] : memref<256x128xi32, #tpu.memory_space<vmem>>[vector<16xi32>, vector<16xi32>], vector<16xi32>,
      %add3A_389 = arith.constant 208 : i32
      %add3A_390 = arith.addi %mul3A_296, %add3A_389 : i32
      %swap3A_391 = arith.index_cast %add3A_390 : i32 to index
      %swap3A_392 = tpu.vector_load %arg6[%swap3A_391] {strides = array<i32>} : memref<12800xi32, #tpu.memory_space<vmem>>, vector<16xi32>,
      tpu.vector_store %arg6[%swap3A_391], %gather3A_388 {strides = array<i32>} : memref<12800xi32, #tpu.memory_space<vmem>>, vector<16xi32>,
      %add3A_393 = vector.broadcast %mul3A_294 : i32 to vector<16xi32>
      %add3A_394 = arith.addi %add3A_393, %add3A_153 : vector<16xi32>
      %gather3A_395 = tpu.vector_load_idx %arg5[%add3A_394, %add3A_156] : memref<256x128xi32, #tpu.memory_space<vmem>>[vector<16xi32>, vector<16xi32>], vector<16xi32>,
      %add3A_396 = arith.constant 224 : i32
      %add3A_397 = arith.addi %mul3A_296, %add3A_396 : i32
      %swap3A_398 = arith.index_cast %add3A_397 : i32 to index
      %swap3A_399 = tpu.vector_load %arg6[%swap3A_398] {strides = array<i32>} : memref<12800xi32, #tpu.memory_space<vmem>>, vector<16xi32>,
      tpu.vector_store %arg6[%swap3A_398], %gather3A_395 {strides = array<i32>} : memref<12800xi32, #tpu.memory_space<vmem>>, vector<16xi32>,
      %add3A_400 = vector.broadcast %mul3A_294 : i32 to vector<16xi32>
      %add3A_401 = arith.addi %add3A_400, %select_n3A_164 : vector<16xi32>
      %gather3A_402 = tpu.vector_load_idx %arg5[%add3A_401, %select_n3A_171] : memref<256x128xi32, #tpu.memory_space<vmem>>[vector<16xi32>, vector<16xi32>], vector<16xi32>,
      %add3A_403 = arith.constant 240 : i32
      %add3A_404 = arith.addi %mul3A_296, %add3A_403 : i32
      %swap3A_405 = arith.index_cast %add3A_404 : i32 to index
      %swap3A_406 = tpu.vector_load %arg6[%swap3A_405] {strides = array<i32>} : memref<12800xi32, #tpu.memory_space<vmem>>, vector<16xi32>,
      tpu.vector_store %arg6[%swap3A_405], %gather3A_402 {strides = array<i32>} : memref<12800xi32, #tpu.memory_space<vmem>>, vector<16xi32>,
      %add3A_407 = vector.broadcast %mul3A_294 : i32 to vector<16xi32>
      %add3A_408 = arith.addi %add3A_407, %add3A_177 : vector<16xi32>
      %gather3A_409 = tpu.vector_load_idx %arg5[%add3A_408, %add3A_180] : memref<256x128xi32, #tpu.memory_space<vmem>>[vector<16xi32>, vector<16xi32>], vector<16xi32>,
      %add3A_410 = arith.constant 256 : i32
      %add3A_411 = arith.addi %mul3A_296, %add3A_410 : i32
      %swap3A_412 = arith.index_cast %add3A_411 : i32 to index
      %swap3A_413 = tpu.vector_load %arg6[%swap3A_412] {strides = array<i32>} : memref<12800xi32, #tpu.memory_space<vmem>>, vector<16xi32>,
      tpu.vector_store %arg6[%swap3A_412], %gather3A_409 {strides = array<i32>} : memref<12800xi32, #tpu.memory_space<vmem>>, vector<16xi32>,
      %add3A_414 = vector.broadcast %mul3A_294 : i32 to vector<16xi32>
      %add3A_415 = arith.addi %add3A_414, %add3A_186 : vector<16xi32>
      %gather3A_416 = tpu.vector_load_idx %arg5[%add3A_415, %add3A_189] : memref<256x128xi32, #tpu.memory_space<vmem>>[vector<16xi32>, vector<16xi32>], vector<16xi32>,
      %add3A_417 = arith.constant 272 : i32
      %add3A_418 = arith.addi %mul3A_296, %add3A_417 : i32
      %swap3A_419 = arith.index_cast %add3A_418 : i32 to index
      %swap3A_420 = tpu.vector_load %arg6[%swap3A_419] {strides = array<i32>} : memref<12800xi32, #tpu.memory_space<vmem>>, vector<16xi32>,
      tpu.vector_store %arg6[%swap3A_419], %gather3A_416 {strides = array<i32>} : memref<12800xi32, #tpu.memory_space<vmem>>, vector<16xi32>,
      %add3A_421 = vector.broadcast %mul3A_294 : i32 to vector<16xi32>
      %add3A_422 = arith.addi %add3A_421, %select_n3A_197 : vector<16xi32>
      %gather3A_423 = tpu.vector_load_idx %arg5[%add3A_422, %select_n3A_204] : memref<256x128xi32, #tpu.memory_space<vmem>>[vector<16xi32>, vector<16xi32>], vector<16xi32>,
      %add3A_424 = arith.constant 288 : i32
      %add3A_425 = arith.addi %mul3A_296, %add3A_424 : i32
      %swap3A_426 = arith.index_cast %add3A_425 : i32 to index
      %swap3A_427 = tpu.vector_load %arg6[%swap3A_426] {strides = array<i32>} : memref<12800xi32, #tpu.memory_space<vmem>>, vector<16xi32>,
      tpu.vector_store %arg6[%swap3A_426], %gather3A_423 {strides = array<i32>} : memref<12800xi32, #tpu.memory_space<vmem>>, vector<16xi32>,
      %add3A_428 = vector.broadcast %mul3A_294 : i32 to vector<16xi32>
      %add3A_429 = arith.addi %add3A_428, %add3A_210 : vector<16xi32>
      %gather3A_430 = tpu.vector_load_idx %arg5[%add3A_429, %add3A_213] : memref<256x128xi32, #tpu.memory_space<vmem>>[vector<16xi32>, vector<16xi32>], vector<16xi32>,
      %add3A_431 = arith.constant 304 : i32
      %add3A_432 = arith.addi %mul3A_296, %add3A_431 : i32
      %swap3A_433 = arith.index_cast %add3A_432 : i32 to index
      %swap3A_434 = tpu.vector_load %arg6[%swap3A_433] {strides = array<i32>} : memref<12800xi32, #tpu.memory_space<vmem>>, vector<16xi32>,
      tpu.vector_store %arg6[%swap3A_433], %gather3A_430 {strides = array<i32>} : memref<12800xi32, #tpu.memory_space<vmem>>, vector<16xi32>,
      %add3A_435 = vector.broadcast %mul3A_294 : i32 to vector<16xi32>
      %add3A_436 = arith.addi %add3A_435, %add3A_219 : vector<16xi32>
      %gather3A_437 = tpu.vector_load_idx %arg5[%add3A_436, %add3A_222] : memref<256x128xi32, #tpu.memory_space<vmem>>[vector<16xi32>, vector<16xi32>], vector<16xi32>,
      %add3A_438 = arith.constant 320 : i32
      %add3A_439 = arith.addi %mul3A_296, %add3A_438 : i32
      %swap3A_440 = arith.index_cast %add3A_439 : i32 to index
      %swap3A_441 = tpu.vector_load %arg6[%swap3A_440] {strides = array<i32>} : memref<12800xi32, #tpu.memory_space<vmem>>, vector<16xi32>,
      tpu.vector_store %arg6[%swap3A_440], %gather3A_437 {strides = array<i32>} : memref<12800xi32, #tpu.memory_space<vmem>>, vector<16xi32>,
      %add3A_442 = vector.broadcast %mul3A_294 : i32 to vector<16xi32>
      %add3A_443 = arith.addi %add3A_442, %select_n3A_230 : vector<16xi32>
      %gather3A_444 = tpu.vector_load_idx %arg5[%add3A_443, %select_n3A_237] : memref<256x128xi32, #tpu.memory_space<vmem>>[vector<16xi32>, vector<16xi32>], vector<16xi32>,
      %add3A_445 = arith.constant 336 : i32
      %add3A_446 = arith.addi %mul3A_296, %add3A_445 : i32
      %swap3A_447 = arith.index_cast %add3A_446 : i32 to index
      %swap3A_448 = tpu.vector_load %arg6[%swap3A_447] {strides = array<i32>} : memref<12800xi32, #tpu.memory_space<vmem>>, vector<16xi32>,
      tpu.vector_store %arg6[%swap3A_447], %gather3A_444 {strides = array<i32>} : memref<12800xi32, #tpu.memory_space<vmem>>, vector<16xi32>,
      %add3A_449 = vector.broadcast %mul3A_294 : i32 to vector<16xi32>
      %add3A_450 = arith.addi %add3A_449, %add3A_243 : vector<16xi32>
      %gather3A_451 = tpu.vector_load_idx %arg5[%add3A_450, %add3A_246] : memref<256x128xi32, #tpu.memory_space<vmem>>[vector<16xi32>, vector<16xi32>], vector<16xi32>,
      %add3A_452 = arith.constant 352 : i32
      %add3A_453 = arith.addi %mul3A_296, %add3A_452 : i32
      %swap3A_454 = arith.index_cast %add3A_453 : i32 to index
      %swap3A_455 = tpu.vector_load %arg6[%swap3A_454] {strides = array<i32>} : memref<12800xi32, #tpu.memory_space<vmem>>, vector<16xi32>,
      tpu.vector_store %arg6[%swap3A_454], %gather3A_451 {strides = array<i32>} : memref<12800xi32, #tpu.memory_space<vmem>>, vector<16xi32>,
      %add3A_456 = vector.broadcast %mul3A_294 : i32 to vector<16xi32>
      %add3A_457 = arith.addi %add3A_456, %add3A_252 : vector<16xi32>
      %gather3A_458 = tpu.vector_load_idx %arg5[%add3A_457, %add3A_255] : memref<256x128xi32, #tpu.memory_space<vmem>>[vector<16xi32>, vector<16xi32>], vector<16xi32>,
      %add3A_459 = arith.constant 368 : i32
      %add3A_460 = arith.addi %mul3A_296, %add3A_459 : i32
      %swap3A_461 = arith.index_cast %add3A_460 : i32 to index
      %swap3A_462 = tpu.vector_load %arg6[%swap3A_461] {strides = array<i32>} : memref<12800xi32, #tpu.memory_space<vmem>>, vector<16xi32>,
      tpu.vector_store %arg6[%swap3A_461], %gather3A_458 {strides = array<i32>} : memref<12800xi32, #tpu.memory_space<vmem>>, vector<16xi32>,
      %add3A_463 = vector.broadcast %mul3A_294 : i32 to vector<16xi32>
      %add3A_464 = arith.addi %add3A_463, %add3A_261 : vector<16xi32>
      %gather3A_465 = tpu.vector_load_idx %arg5[%add3A_464, %add3A_264] : memref<256x128xi32, #tpu.memory_space<vmem>>[vector<16xi32>, vector<16xi32>], vector<16xi32>,
      %add3A_466 = arith.constant 384 : i32
      %add3A_467 = arith.addi %mul3A_296, %add3A_466 : i32
      %swap3A_468 = arith.index_cast %add3A_467 : i32 to index
      %swap3A_469 = tpu.vector_load %arg6[%swap3A_468] {strides = array<i32>} : memref<12800xi32, #tpu.memory_space<vmem>>, vector<16xi32>,
      tpu.vector_store %arg6[%swap3A_468], %gather3A_465 {strides = array<i32>} : memref<12800xi32, #tpu.memory_space<vmem>>, vector<16xi32>,
    }
    %scan3A_271 = arith.constant 32 : i32
    %scan3A_272 = arith.constant 0 : i32
    %scan3A_273 = arith.constant 0 : i32
    %scan3A_274 = arith.constant 8 : i32
    %scan3A_275 = arith.addi %scan3A_273, %scan3A_274 : i32
    %scan3A_276 = arith.constant 1 : i32
    scf.for %scan3A_292 = %scan3A_273 to %scan3A_275 step %scan3A_276  : i32 {
      %mul3A_293 = arith.constant 1600 : i32
      %mul3A_294 = arith.muli %scan3A_292, %mul3A_293 : i32
      %dma_start3A = tpu.memref_slice %arg6[%mul3A_294] : memref<12800xi32, #tpu.memory_space<vmem>> -> memref<1600xi32, #tpu.memory_space<vmem>>
      %dma_start3A_295 = arith.constant 0 : i32
      %dma_start3A_296 = arith.constant 0 : i32
      %dma_start3A_297 = tpu.memref_slice %arg2[%dma_start3A_295, %dma_start3A_296] : memref<1000000x32xf32, #tpu.memory_space<hbm>> -> memref<1000000x32xf32, #tpu.memory_space<hbm>>
      tpu.enqueue_indirect_dma source(%dma_start3A_297 : memref<1000000x32xf32, #tpu.memory_space<hbm>>) target(%arg7 : memref<1600x32xf32, #tpu.memory_space<vmem>>) offsets(%dma_start3A : memref<1600xi32, #tpu.memory_space<vmem>>) semaphore(%arg8 : memref<!tpu.dma_semaphore, #tpu.memory_space<semaphore_mem>>)
      %dma_wait3A = tpu.memref_slice %arg6[%mul3A_294] : memref<12800xi32, #tpu.memory_space<vmem>> -> memref<1600xi32, #tpu.memory_space<vmem>>
      %dma_wait3A_298 = arith.constant 0 : i32
      %dma_wait3A_299 = arith.constant 0 : i32
      %dma_wait3A_300 = tpu.memref_slice %arg2[%dma_wait3A_298, %dma_wait3A_299] : memref<1000000x32xf32, #tpu.memory_space<hbm>> -> memref<1000000x32xf32, #tpu.memory_space<hbm>>
      tpu.wait_indirect_dma semaphore(%arg8 : memref<!tpu.dma_semaphore, #tpu.memory_space<semaphore_mem>>) src(%dma_wait3A_300 : memref<1000000x32xf32, #tpu.memory_space<hbm>>) dst(%arg7 : memref<1600x32xf32, #tpu.memory_space<vmem>>)
      %add3A_301 = arith.constant 0 : i32
      %add3A_302 = arith.addi %mul3A_2, %add3A_301 : i32
      %mul3A_303 = arith.constant 50 : i32
      %mul3A_304 = arith.muli %add3A_302, %mul3A_303 : i32
      %add3A_305 = arith.addi %mul3A_304, %mul3A_294 : i32
      "tpu.region"() ({
        %run_scoped3A = tpu.sem_alloc : memref<!tpu.dma_semaphore, #tpu.memory_space<semaphore_mem>>
        %dma_start3A_306 = arith.constant 0 : i32
        %dma_start3A_307 = tpu.memref_slice %arg4[%add3A_305, %dma_start3A_306] : memref<819200x32xf32, #tpu.memory_space<hbm>> -> memref<1600x32xf32, #tpu.memory_space<hbm>>
        %dma_start3A_308 = arith.constant 0 : i32
        %dma_start3A_309 = tpu.memref_slice %arg4[%add3A_305, %dma_start3A_308] : memref<819200x32xf32, #tpu.memory_space<hbm>> -> memref<1600x32xf32, #tpu.memory_space<hbm>>
        tpu.enqueue_dma source(%arg7 : memref<1600x32xf32, #tpu.memory_space<vmem>>) target(%dma_start3A_309 : memref<1600x32xf32, #tpu.memory_space<hbm>>) target_semaphore(%run_scoped3A : memref<!tpu.dma_semaphore, #tpu.memory_space<semaphore_mem>>)
        %dma_wait3A_310 = arith.constant 0 : i32
        %dma_wait3A_311 = tpu.memref_slice %arg4[%add3A_305, %dma_wait3A_310] : memref<819200x32xf32, #tpu.memory_space<hbm>> -> memref<1600x32xf32, #tpu.memory_space<hbm>>
        %dma_wait3A_312 = arith.constant 0 : i32
        %dma_wait3A_313 = tpu.memref_slice %arg4[%add3A_305, %dma_wait3A_312] : memref<819200x32xf32, #tpu.memory_space<hbm>> -> memref<1600x32xf32, #tpu.memory_space<hbm>>
        tpu.wait_dma2 semaphore(%run_scoped3A : memref<!tpu.dma_semaphore, #tpu.memory_space<semaphore_mem>>) src(%arg7 : memref<1600x32xf32, #tpu.memory_space<vmem>>) dst(%dma_wait3A_313 : memref<1600x32xf32, #tpu.memory_space<hbm>>)
        tpu.yield
      }) : () -> ()
    }
    %scan3A_277 = arith.constant 8 : i32
    %add3A_278 = arith.constant 256 : i32
    %add3A_279 = arith.addi %mul3A_2, %add3A_278 : i32
    "tpu.region"() ({
      %run_scoped3A = tpu.sem_alloc : memref<!tpu.dma_semaphore, #tpu.memory_space<semaphore_mem>>
      %dma_start3A = arith.constant 0 : i32
      %dma_start3A_292 = tpu.memref_slice %arg3[%add3A_279, %dma_start3A] : memref<16384x128xi32, #tpu.memory_space<hbm>> -> memref<256x128xi32, #tpu.memory_space<hbm>>
      %dma_start3A_293 = arith.constant 0 : i32
      %dma_start3A_294 = tpu.memref_slice %arg3[%add3A_279, %dma_start3A_293] : memref<16384x128xi32, #tpu.memory_space<hbm>> -> memref<256x128xi32, #tpu.memory_space<hbm>>
      tpu.enqueue_dma source(%dma_start3A_294 : memref<256x128xi32, #tpu.memory_space<hbm>>) target(%arg5 : memref<256x128xi32, #tpu.memory_space<vmem>>) target_semaphore(%run_scoped3A : memref<!tpu.dma_semaphore, #tpu.memory_space<semaphore_mem>>)
      %dma_wait3A = arith.constant 0 : i32
      %dma_wait3A_295 = tpu.memref_slice %arg3[%add3A_279, %dma_wait3A] : memref<16384x128xi32, #tpu.memory_space<hbm>> -> memref<256x128xi32, #tpu.memory_space<hbm>>
      %dma_wait3A_296 = arith.constant 0 : i32
      %dma_wait3A_297 = tpu.memref_slice %arg3[%add3A_279, %dma_wait3A_296] : memref<16384x128xi32, #tpu.memory_space<hbm>> -> memref<256x128xi32, #tpu.memory_space<hbm>>
      tpu.wait_dma2 semaphore(%run_scoped3A : memref<!tpu.dma_semaphore, #tpu.memory_space<semaphore_mem>>) src(%dma_wait3A_297 : memref<256x128xi32, #tpu.memory_space<hbm>>) dst(%arg5 : memref<256x128xi32, #tpu.memory_space<vmem>>)
      tpu.yield
    }) : () -> ()
    %scan3A_280 = arith.constant 0 : i32
    %scan3A_281 = arith.constant 0 : i32
    %scan3A_282 = arith.constant 32 : i32
    %scan3A_283 = arith.addi %scan3A_281, %scan3A_282 : i32
    %scan3A_284 = arith.constant 1 : i32
    scf.for %scan3A_292 = %scan3A_281 to %scan3A_283 step %scan3A_284  : i32 {
      %mul3A_293 = arith.constant 8 : i32
      %mul3A_294 = arith.muli %scan3A_292, %mul3A_293 : i32
      %mul3A_295 = arith.constant 400 : i32
      %mul3A_296 = arith.muli %scan3A_292, %mul3A_295 : i32
      %add3A_297 = vector.broadcast %mul3A_294 : i32 to vector<16xi32>
      %add3A_298 = arith.addi %add3A_297, %add3A_8 : vector<16xi32>
      %gather3A = tpu.vector_load_idx %arg5[%add3A_298, %add3A_11] : memref<256x128xi32, #tpu.memory_space<vmem>>[vector<16xi32>, vector<16xi32>], vector<16xi32>,
      %add3A_299 = arith.constant 0 : i32
      %add3A_300 = arith.addi %mul3A_296, %add3A_299 : i32
      %swap3A = arith.index_cast %add3A_300 : i32 to index
      %swap3A_301 = tpu.vector_load %arg6[%swap3A] {strides = array<i32>} : memref<12800xi32, #tpu.memory_space<vmem>>, vector<16xi32>,
      tpu.vector_store %arg6[%swap3A], %gather3A {strides = array<i32>} : memref<12800xi32, #tpu.memory_space<vmem>>, vector<16xi32>,
      %add3A_302 = vector.broadcast %mul3A_294 : i32 to vector<16xi32>
      %add3A_303 = arith.addi %add3A_302, %add3A_17 : vector<16xi32>
      %gather3A_304 = tpu.vector_load_idx %arg5[%add3A_303, %add3A_20] : memref<256x128xi32, #tpu.memory_space<vmem>>[vector<16xi32>, vector<16xi32>], vector<16xi32>,
      %add3A_305 = arith.constant 16 : i32
      %add3A_306 = arith.addi %mul3A_296, %add3A_305 : i32
      %swap3A_307 = arith.index_cast %add3A_306 : i32 to index
      %swap3A_308 = tpu.vector_load %arg6[%swap3A_307] {strides = array<i32>} : memref<12800xi32, #tpu.memory_space<vmem>>, vector<16xi32>,
      tpu.vector_store %arg6[%swap3A_307], %gather3A_304 {strides = array<i32>} : memref<12800xi32, #tpu.memory_space<vmem>>, vector<16xi32>,
      %add3A_309 = vector.broadcast %mul3A_294 : i32 to vector<16xi32>
      %add3A_310 = arith.addi %add3A_309, %add3A_26 : vector<16xi32>
      %gather3A_311 = tpu.vector_load_idx %arg5[%add3A_310, %add3A_29] : memref<256x128xi32, #tpu.memory_space<vmem>>[vector<16xi32>, vector<16xi32>], vector<16xi32>,
      %add3A_312 = arith.constant 32 : i32
      %add3A_313 = arith.addi %mul3A_296, %add3A_312 : i32
      %swap3A_314 = arith.index_cast %add3A_313 : i32 to index
      %swap3A_315 = tpu.vector_load %arg6[%swap3A_314] {strides = array<i32>} : memref<12800xi32, #tpu.memory_space<vmem>>, vector<16xi32>,
      tpu.vector_store %arg6[%swap3A_314], %gather3A_311 {strides = array<i32>} : memref<12800xi32, #tpu.memory_space<vmem>>, vector<16xi32>,
      %add3A_316 = vector.broadcast %mul3A_294 : i32 to vector<16xi32>
      %add3A_317 = arith.addi %add3A_316, %select_n3A : vector<16xi32>
      %gather3A_318 = tpu.vector_load_idx %arg5[%add3A_317, %select_n3A_39] : memref<256x128xi32, #tpu.memory_space<vmem>>[vector<16xi32>, vector<16xi32>], vector<16xi32>,
      %add3A_319 = arith.constant 48 : i32
      %add3A_320 = arith.addi %mul3A_296, %add3A_319 : i32
      %swap3A_321 = arith.index_cast %add3A_320 : i32 to index
      %swap3A_322 = tpu.vector_load %arg6[%swap3A_321] {strides = array<i32>} : memref<12800xi32, #tpu.memory_space<vmem>>, vector<16xi32>,
      tpu.vector_store %arg6[%swap3A_321], %gather3A_318 {strides = array<i32>} : memref<12800xi32, #tpu.memory_space<vmem>>, vector<16xi32>,
      %add3A_323 = vector.broadcast %mul3A_294 : i32 to vector<16xi32>
      %add3A_324 = arith.addi %add3A_323, %add3A_45 : vector<16xi32>
      %gather3A_325 = tpu.vector_load_idx %arg5[%add3A_324, %add3A_48] : memref<256x128xi32, #tpu.memory_space<vmem>>[vector<16xi32>, vector<16xi32>], vector<16xi32>,
      %add3A_326 = arith.constant 64 : i32
      %add3A_327 = arith.addi %mul3A_296, %add3A_326 : i32
      %swap3A_328 = arith.index_cast %add3A_327 : i32 to index
      %swap3A_329 = tpu.vector_load %arg6[%swap3A_328] {strides = array<i32>} : memref<12800xi32, #tpu.memory_space<vmem>>, vector<16xi32>,
      tpu.vector_store %arg6[%swap3A_328], %gather3A_325 {strides = array<i32>} : memref<12800xi32, #tpu.memory_space<vmem>>, vector<16xi32>,
      %add3A_330 = vector.broadcast %mul3A_294 : i32 to vector<16xi32>
      %add3A_331 = arith.addi %add3A_330, %add3A_54 : vector<16xi32>
      %gather3A_332 = tpu.vector_load_idx %arg5[%add3A_331, %add3A_57] : memref<256x128xi32, #tpu.memory_space<vmem>>[vector<16xi32>, vector<16xi32>], vector<16xi32>,
      %add3A_333 = arith.constant 80 : i32
      %add3A_334 = arith.addi %mul3A_296, %add3A_333 : i32
      %swap3A_335 = arith.index_cast %add3A_334 : i32 to index
      %swap3A_336 = tpu.vector_load %arg6[%swap3A_335] {strides = array<i32>} : memref<12800xi32, #tpu.memory_space<vmem>>, vector<16xi32>,
      tpu.vector_store %arg6[%swap3A_335], %gather3A_332 {strides = array<i32>} : memref<12800xi32, #tpu.memory_space<vmem>>, vector<16xi32>,
      %add3A_337 = vector.broadcast %mul3A_294 : i32 to vector<16xi32>
      %add3A_338 = arith.addi %add3A_337, %select_n3A_65 : vector<16xi32>
      %gather3A_339 = tpu.vector_load_idx %arg5[%add3A_338, %select_n3A_72] : memref<256x128xi32, #tpu.memory_space<vmem>>[vector<16xi32>, vector<16xi32>], vector<16xi32>,
      %add3A_340 = arith.constant 96 : i32
      %add3A_341 = arith.addi %mul3A_296, %add3A_340 : i32
      %swap3A_342 = arith.index_cast %add3A_341 : i32 to index
      %swap3A_343 = tpu.vector_load %arg6[%swap3A_342] {strides = array<i32>} : memref<12800xi32, #tpu.memory_space<vmem>>, vector<16xi32>,
      tpu.vector_store %arg6[%swap3A_342], %gather3A_339 {strides = array<i32>} : memref<12800xi32, #tpu.memory_space<vmem>>, vector<16xi32>,
      %add3A_344 = vector.broadcast %mul3A_294 : i32 to vector<16xi32>
      %add3A_345 = arith.addi %add3A_344, %add3A_78 : vector<16xi32>
      %gather3A_346 = tpu.vector_load_idx %arg5[%add3A_345, %add3A_81] : memref<256x128xi32, #tpu.memory_space<vmem>>[vector<16xi32>, vector<16xi32>], vector<16xi32>,
      %add3A_347 = arith.constant 112 : i32
      %add3A_348 = arith.addi %mul3A_296, %add3A_347 : i32
      %swap3A_349 = arith.index_cast %add3A_348 : i32 to index
      %swap3A_350 = tpu.vector_load %arg6[%swap3A_349] {strides = array<i32>} : memref<12800xi32, #tpu.memory_space<vmem>>, vector<16xi32>,
      tpu.vector_store %arg6[%swap3A_349], %gather3A_346 {strides = array<i32>} : memref<12800xi32, #tpu.memory_space<vmem>>, vector<16xi32>,
      %add3A_351 = vector.broadcast %mul3A_294 : i32 to vector<16xi32>
      %add3A_352 = arith.addi %add3A_351, %add3A_87 : vector<16xi32>
      %gather3A_353 = tpu.vector_load_idx %arg5[%add3A_352, %add3A_90] : memref<256x128xi32, #tpu.memory_space<vmem>>[vector<16xi32>, vector<16xi32>], vector<16xi32>,
      %add3A_354 = arith.constant 128 : i32
      %add3A_355 = arith.addi %mul3A_296, %add3A_354 : i32
      %swap3A_356 = arith.index_cast %add3A_355 : i32 to index
      %swap3A_357 = tpu.vector_load %arg6[%swap3A_356] {strides = array<i32>} : memref<12800xi32, #tpu.memory_space<vmem>>, vector<16xi32>,
      tpu.vector_store %arg6[%swap3A_356], %gather3A_353 {strides = array<i32>} : memref<12800xi32, #tpu.memory_space<vmem>>, vector<16xi32>,
      %add3A_358 = vector.broadcast %mul3A_294 : i32 to vector<16xi32>
      %add3A_359 = arith.addi %add3A_358, %select_n3A_98 : vector<16xi32>
      %gather3A_360 = tpu.vector_load_idx %arg5[%add3A_359, %select_n3A_105] : memref<256x128xi32, #tpu.memory_space<vmem>>[vector<16xi32>, vector<16xi32>], vector<16xi32>,
      %add3A_361 = arith.constant 144 : i32
      %add3A_362 = arith.addi %mul3A_296, %add3A_361 : i32
      %swap3A_363 = arith.index_cast %add3A_362 : i32 to index
      %swap3A_364 = tpu.vector_load %arg6[%swap3A_363] {strides = array<i32>} : memref<12800xi32, #tpu.memory_space<vmem>>, vector<16xi32>,
      tpu.vector_store %arg6[%swap3A_363], %gather3A_360 {strides = array<i32>} : memref<12800xi32, #tpu.memory_space<vmem>>, vector<16xi32>,
      %add3A_365 = vector.broadcast %mul3A_294 : i32 to vector<16xi32>
      %add3A_366 = arith.addi %add3A_365, %add3A_111 : vector<16xi32>
      %gather3A_367 = tpu.vector_load_idx %arg5[%add3A_366, %add3A_114] : memref<256x128xi32, #tpu.memory_space<vmem>>[vector<16xi32>, vector<16xi32>], vector<16xi32>,
      %add3A_368 = arith.constant 160 : i32
      %add3A_369 = arith.addi %mul3A_296, %add3A_368 : i32
      %swap3A_370 = arith.index_cast %add3A_369 : i32 to index
      %swap3A_371 = tpu.vector_load %arg6[%swap3A_370] {strides = array<i32>} : memref<12800xi32, #tpu.memory_space<vmem>>, vector<16xi32>,
      tpu.vector_store %arg6[%swap3A_370], %gather3A_367 {strides = array<i32>} : memref<12800xi32, #tpu.memory_space<vmem>>, vector<16xi32>,
      %add3A_372 = vector.broadcast %mul3A_294 : i32 to vector<16xi32>
      %add3A_373 = arith.addi %add3A_372, %add3A_120 : vector<16xi32>
      %gather3A_374 = tpu.vector_load_idx %arg5[%add3A_373, %add3A_123] : memref<256x128xi32, #tpu.memory_space<vmem>>[vector<16xi32>, vector<16xi32>], vector<16xi32>,
      %add3A_375 = arith.constant 176 : i32
      %add3A_376 = arith.addi %mul3A_296, %add3A_375 : i32
      %swap3A_377 = arith.index_cast %add3A_376 : i32 to index
      %swap3A_378 = tpu.vector_load %arg6[%swap3A_377] {strides = array<i32>} : memref<12800xi32, #tpu.memory_space<vmem>>, vector<16xi32>,
      tpu.vector_store %arg6[%swap3A_377], %gather3A_374 {strides = array<i32>} : memref<12800xi32, #tpu.memory_space<vmem>>, vector<16xi32>,
      %add3A_379 = vector.broadcast %mul3A_294 : i32 to vector<16xi32>
      %add3A_380 = arith.addi %add3A_379, %select_n3A_131 : vector<16xi32>
      %gather3A_381 = tpu.vector_load_idx %arg5[%add3A_380, %select_n3A_138] : memref<256x128xi32, #tpu.memory_space<vmem>>[vector<16xi32>, vector<16xi32>], vector<16xi32>,
      %add3A_382 = arith.constant 192 : i32
      %add3A_383 = arith.addi %mul3A_296, %add3A_382 : i32
      %swap3A_384 = arith.index_cast %add3A_383 : i32 to index
      %swap3A_385 = tpu.vector_load %arg6[%swap3A_384] {strides = array<i32>} : memref<12800xi32, #tpu.memory_space<vmem>>, vector<16xi32>,
      tpu.vector_store %arg6[%swap3A_384], %gather3A_381 {strides = array<i32>} : memref<12800xi32, #tpu.memory_space<vmem>>, vector<16xi32>,
      %add3A_386 = vector.broadcast %mul3A_294 : i32 to vector<16xi32>
      %add3A_387 = arith.addi %add3A_386, %add3A_144 : vector<16xi32>
      %gather3A_388 = tpu.vector_load_idx %arg5[%add3A_387, %add3A_147] : memref<256x128xi32, #tpu.memory_space<vmem>>[vector<16xi32>, vector<16xi32>], vector<16xi32>,
      %add3A_389 = arith.constant 208 : i32
      %add3A_390 = arith.addi %mul3A_296, %add3A_389 : i32
      %swap3A_391 = arith.index_cast %add3A_390 : i32 to index
      %swap3A_392 = tpu.vector_load %arg6[%swap3A_391] {strides = array<i32>} : memref<12800xi32, #tpu.memory_space<vmem>>, vector<16xi32>,
      tpu.vector_store %arg6[%swap3A_391], %gather3A_388 {strides = array<i32>} : memref<12800xi32, #tpu.memory_space<vmem>>, vector<16xi32>,
      %add3A_393 = vector.broadcast %mul3A_294 : i32 to vector<16xi32>
      %add3A_394 = arith.addi %add3A_393, %add3A_153 : vector<16xi32>
      %gather3A_395 = tpu.vector_load_idx %arg5[%add3A_394, %add3A_156] : memref<256x128xi32, #tpu.memory_space<vmem>>[vector<16xi32>, vector<16xi32>], vector<16xi32>,
      %add3A_396 = arith.constant 224 : i32
      %add3A_397 = arith.addi %mul3A_296, %add3A_396 : i32
      %swap3A_398 = arith.index_cast %add3A_397 : i32 to index
      %swap3A_399 = tpu.vector_load %arg6[%swap3A_398] {strides = array<i32>} : memref<12800xi32, #tpu.memory_space<vmem>>, vector<16xi32>,
      tpu.vector_store %arg6[%swap3A_398], %gather3A_395 {strides = array<i32>} : memref<12800xi32, #tpu.memory_space<vmem>>, vector<16xi32>,
      %add3A_400 = vector.broadcast %mul3A_294 : i32 to vector<16xi32>
      %add3A_401 = arith.addi %add3A_400, %select_n3A_164 : vector<16xi32>
      %gather3A_402 = tpu.vector_load_idx %arg5[%add3A_401, %select_n3A_171] : memref<256x128xi32, #tpu.memory_space<vmem>>[vector<16xi32>, vector<16xi32>], vector<16xi32>,
      %add3A_403 = arith.constant 240 : i32
      %add3A_404 = arith.addi %mul3A_296, %add3A_403 : i32
      %swap3A_405 = arith.index_cast %add3A_404 : i32 to index
      %swap3A_406 = tpu.vector_load %arg6[%swap3A_405] {strides = array<i32>} : memref<12800xi32, #tpu.memory_space<vmem>>, vector<16xi32>,
      tpu.vector_store %arg6[%swap3A_405], %gather3A_402 {strides = array<i32>} : memref<12800xi32, #tpu.memory_space<vmem>>, vector<16xi32>,
      %add3A_407 = vector.broadcast %mul3A_294 : i32 to vector<16xi32>
      %add3A_408 = arith.addi %add3A_407, %add3A_177 : vector<16xi32>
      %gather3A_409 = tpu.vector_load_idx %arg5[%add3A_408, %add3A_180] : memref<256x128xi32, #tpu.memory_space<vmem>>[vector<16xi32>, vector<16xi32>], vector<16xi32>,
      %add3A_410 = arith.constant 256 : i32
      %add3A_411 = arith.addi %mul3A_296, %add3A_410 : i32
      %swap3A_412 = arith.index_cast %add3A_411 : i32 to index
      %swap3A_413 = tpu.vector_load %arg6[%swap3A_412] {strides = array<i32>} : memref<12800xi32, #tpu.memory_space<vmem>>, vector<16xi32>,
      tpu.vector_store %arg6[%swap3A_412], %gather3A_409 {strides = array<i32>} : memref<12800xi32, #tpu.memory_space<vmem>>, vector<16xi32>,
      %add3A_414 = vector.broadcast %mul3A_294 : i32 to vector<16xi32>
      %add3A_415 = arith.addi %add3A_414, %add3A_186 : vector<16xi32>
      %gather3A_416 = tpu.vector_load_idx %arg5[%add3A_415, %add3A_189] : memref<256x128xi32, #tpu.memory_space<vmem>>[vector<16xi32>, vector<16xi32>], vector<16xi32>,
      %add3A_417 = arith.constant 272 : i32
      %add3A_418 = arith.addi %mul3A_296, %add3A_417 : i32
      %swap3A_419 = arith.index_cast %add3A_418 : i32 to index
      %swap3A_420 = tpu.vector_load %arg6[%swap3A_419] {strides = array<i32>} : memref<12800xi32, #tpu.memory_space<vmem>>, vector<16xi32>,
      tpu.vector_store %arg6[%swap3A_419], %gather3A_416 {strides = array<i32>} : memref<12800xi32, #tpu.memory_space<vmem>>, vector<16xi32>,
      %add3A_421 = vector.broadcast %mul3A_294 : i32 to vector<16xi32>
      %add3A_422 = arith.addi %add3A_421, %select_n3A_197 : vector<16xi32>
      %gather3A_423 = tpu.vector_load_idx %arg5[%add3A_422, %select_n3A_204] : memref<256x128xi32, #tpu.memory_space<vmem>>[vector<16xi32>, vector<16xi32>], vector<16xi32>,
      %add3A_424 = arith.constant 288 : i32
      %add3A_425 = arith.addi %mul3A_296, %add3A_424 : i32
      %swap3A_426 = arith.index_cast %add3A_425 : i32 to index
      %swap3A_427 = tpu.vector_load %arg6[%swap3A_426] {strides = array<i32>} : memref<12800xi32, #tpu.memory_space<vmem>>, vector<16xi32>,
      tpu.vector_store %arg6[%swap3A_426], %gather3A_423 {strides = array<i32>} : memref<12800xi32, #tpu.memory_space<vmem>>, vector<16xi32>,
      %add3A_428 = vector.broadcast %mul3A_294 : i32 to vector<16xi32>
      %add3A_429 = arith.addi %add3A_428, %add3A_210 : vector<16xi32>
      %gather3A_430 = tpu.vector_load_idx %arg5[%add3A_429, %add3A_213] : memref<256x128xi32, #tpu.memory_space<vmem>>[vector<16xi32>, vector<16xi32>], vector<16xi32>,
      %add3A_431 = arith.constant 304 : i32
      %add3A_432 = arith.addi %mul3A_296, %add3A_431 : i32
      %swap3A_433 = arith.index_cast %add3A_432 : i32 to index
      %swap3A_434 = tpu.vector_load %arg6[%swap3A_433] {strides = array<i32>} : memref<12800xi32, #tpu.memory_space<vmem>>, vector<16xi32>,
      tpu.vector_store %arg6[%swap3A_433], %gather3A_430 {strides = array<i32>} : memref<12800xi32, #tpu.memory_space<vmem>>, vector<16xi32>,
      %add3A_435 = vector.broadcast %mul3A_294 : i32 to vector<16xi32>
      %add3A_436 = arith.addi %add3A_435, %add3A_219 : vector<16xi32>
      %gather3A_437 = tpu.vector_load_idx %arg5[%add3A_436, %add3A_222] : memref<256x128xi32, #tpu.memory_space<vmem>>[vector<16xi32>, vector<16xi32>], vector<16xi32>,
      %add3A_438 = arith.constant 320 : i32
      %add3A_439 = arith.addi %mul3A_296, %add3A_438 : i32
      %swap3A_440 = arith.index_cast %add3A_439 : i32 to index
      %swap3A_441 = tpu.vector_load %arg6[%swap3A_440] {strides = array<i32>} : memref<12800xi32, #tpu.memory_space<vmem>>, vector<16xi32>,
      tpu.vector_store %arg6[%swap3A_440], %gather3A_437 {strides = array<i32>} : memref<12800xi32, #tpu.memory_space<vmem>>, vector<16xi32>,
      %add3A_442 = vector.broadcast %mul3A_294 : i32 to vector<16xi32>
      %add3A_443 = arith.addi %add3A_442, %select_n3A_230 : vector<16xi32>
      %gather3A_444 = tpu.vector_load_idx %arg5[%add3A_443, %select_n3A_237] : memref<256x128xi32, #tpu.memory_space<vmem>>[vector<16xi32>, vector<16xi32>], vector<16xi32>,
      %add3A_445 = arith.constant 336 : i32
      %add3A_446 = arith.addi %mul3A_296, %add3A_445 : i32
      %swap3A_447 = arith.index_cast %add3A_446 : i32 to index
      %swap3A_448 = tpu.vector_load %arg6[%swap3A_447] {strides = array<i32>} : memref<12800xi32, #tpu.memory_space<vmem>>, vector<16xi32>,
      tpu.vector_store %arg6[%swap3A_447], %gather3A_444 {strides = array<i32>} : memref<12800xi32, #tpu.memory_space<vmem>>, vector<16xi32>,
      %add3A_449 = vector.broadcast %mul3A_294 : i32 to vector<16xi32>
      %add3A_450 = arith.addi %add3A_449, %add3A_243 : vector<16xi32>
      %gather3A_451 = tpu.vector_load_idx %arg5[%add3A_450, %add3A_246] : memref<256x128xi32, #tpu.memory_space<vmem>>[vector<16xi32>, vector<16xi32>], vector<16xi32>,
      %add3A_452 = arith.constant 352 : i32
      %add3A_453 = arith.addi %mul3A_296, %add3A_452 : i32
      %swap3A_454 = arith.index_cast %add3A_453 : i32 to index
      %swap3A_455 = tpu.vector_load %arg6[%swap3A_454] {strides = array<i32>} : memref<12800xi32, #tpu.memory_space<vmem>>, vector<16xi32>,
      tpu.vector_store %arg6[%swap3A_454], %gather3A_451 {strides = array<i32>} : memref<12800xi32, #tpu.memory_space<vmem>>, vector<16xi32>,
      %add3A_456 = vector.broadcast %mul3A_294 : i32 to vector<16xi32>
      %add3A_457 = arith.addi %add3A_456, %add3A_252 : vector<16xi32>
      %gather3A_458 = tpu.vector_load_idx %arg5[%add3A_457, %add3A_255] : memref<256x128xi32, #tpu.memory_space<vmem>>[vector<16xi32>, vector<16xi32>], vector<16xi32>,
      %add3A_459 = arith.constant 368 : i32
      %add3A_460 = arith.addi %mul3A_296, %add3A_459 : i32
      %swap3A_461 = arith.index_cast %add3A_460 : i32 to index
      %swap3A_462 = tpu.vector_load %arg6[%swap3A_461] {strides = array<i32>} : memref<12800xi32, #tpu.memory_space<vmem>>, vector<16xi32>,
      tpu.vector_store %arg6[%swap3A_461], %gather3A_458 {strides = array<i32>} : memref<12800xi32, #tpu.memory_space<vmem>>, vector<16xi32>,
      %add3A_463 = vector.broadcast %mul3A_294 : i32 to vector<16xi32>
      %add3A_464 = arith.addi %add3A_463, %add3A_261 : vector<16xi32>
      %gather3A_465 = tpu.vector_load_idx %arg5[%add3A_464, %add3A_264] : memref<256x128xi32, #tpu.memory_space<vmem>>[vector<16xi32>, vector<16xi32>], vector<16xi32>,
      %add3A_466 = arith.constant 384 : i32
      %add3A_467 = arith.addi %mul3A_296, %add3A_466 : i32
      %swap3A_468 = arith.index_cast %add3A_467 : i32 to index
      %swap3A_469 = tpu.vector_load %arg6[%swap3A_468] {strides = array<i32>} : memref<12800xi32, #tpu.memory_space<vmem>>, vector<16xi32>,
      tpu.vector_store %arg6[%swap3A_468], %gather3A_465 {strides = array<i32>} : memref<12800xi32, #tpu.memory_space<vmem>>, vector<16xi32>,
    }
    %scan3A_285 = arith.constant 32 : i32
    %scan3A_286 = arith.constant 0 : i32
    %scan3A_287 = arith.constant 0 : i32
    %scan3A_288 = arith.constant 8 : i32
    %scan3A_289 = arith.addi %scan3A_287, %scan3A_288 : i32
    %scan3A_290 = arith.constant 1 : i32
    scf.for %scan3A_292 = %scan3A_287 to %scan3A_289 step %scan3A_290  : i32 {
      %mul3A_293 = arith.constant 1600 : i32
      %mul3A_294 = arith.muli %scan3A_292, %mul3A_293 : i32
      %dma_start3A = tpu.memref_slice %arg6[%mul3A_294] : memref<12800xi32, #tpu.memory_space<vmem>> -> memref<1600xi32, #tpu.memory_space<vmem>>
      %dma_start3A_295 = arith.constant 0 : i32
      %dma_start3A_296 = arith.constant 0 : i32
      %dma_start3A_297 = tpu.memref_slice %arg2[%dma_start3A_295, %dma_start3A_296] : memref<1000000x32xf32, #tpu.memory_space<hbm>> -> memref<1000000x32xf32, #tpu.memory_space<hbm>>
      tpu.enqueue_indirect_dma source(%dma_start3A_297 : memref<1000000x32xf32, #tpu.memory_space<hbm>>) target(%arg7 : memref<1600x32xf32, #tpu.memory_space<vmem>>) offsets(%dma_start3A : memref<1600xi32, #tpu.memory_space<vmem>>) semaphore(%arg8 : memref<!tpu.dma_semaphore, #tpu.memory_space<semaphore_mem>>)
      %dma_wait3A = tpu.memref_slice %arg6[%mul3A_294] : memref<12800xi32, #tpu.memory_space<vmem>> -> memref<1600xi32, #tpu.memory_space<vmem>>
      %dma_wait3A_298 = arith.constant 0 : i32
      %dma_wait3A_299 = arith.constant 0 : i32
      %dma_wait3A_300 = tpu.memref_slice %arg2[%dma_wait3A_298, %dma_wait3A_299] : memref<1000000x32xf32, #tpu.memory_space<hbm>> -> memref<1000000x32xf32, #tpu.memory_space<hbm>>
      tpu.wait_indirect_dma semaphore(%arg8 : memref<!tpu.dma_semaphore, #tpu.memory_space<semaphore_mem>>) src(%dma_wait3A_300 : memref<1000000x32xf32, #tpu.memory_space<hbm>>) dst(%arg7 : memref<1600x32xf32, #tpu.memory_space<vmem>>)
      %add3A_301 = arith.constant 256 : i32
      %add3A_302 = arith.addi %mul3A_2, %add3A_301 : i32
      %mul3A_303 = arith.constant 50 : i32
      %mul3A_304 = arith.muli %add3A_302, %mul3A_303 : i32
      %add3A_305 = arith.addi %mul3A_304, %mul3A_294 : i32
      "tpu.region"() ({
        %run_scoped3A = tpu.sem_alloc : memref<!tpu.dma_semaphore, #tpu.memory_space<semaphore_mem>>
        %dma_start3A_306 = arith.constant 0 : i32
        %dma_start3A_307 = tpu.memref_slice %arg4[%add3A_305, %dma_start3A_306] : memref<819200x32xf32, #tpu.memory_space<hbm>> -> memref<1600x32xf32, #tpu.memory_space<hbm>>
        %dma_start3A_308 = arith.constant 0 : i32
        %dma_start3A_309 = tpu.memref_slice %arg4[%add3A_305, %dma_start3A_308] : memref<819200x32xf32, #tpu.memory_space<hbm>> -> memref<1600x32xf32, #tpu.memory_space<hbm>>
        tpu.enqueue_dma source(%arg7 : memref<1600x32xf32, #tpu.memory_space<vmem>>) target(%dma_start3A_309 : memref<1600x32xf32, #tpu.memory_space<hbm>>) target_semaphore(%run_scoped3A : memref<!tpu.dma_semaphore, #tpu.memory_space<semaphore_mem>>)
        %dma_wait3A_310 = arith.constant 0 : i32
        %dma_wait3A_311 = tpu.memref_slice %arg4[%add3A_305, %dma_wait3A_310] : memref<819200x32xf32, #tpu.memory_space<hbm>> -> memref<1600x32xf32, #tpu.memory_space<hbm>>
        %dma_wait3A_312 = arith.constant 0 : i32
        %dma_wait3A_313 = tpu.memref_slice %arg4[%add3A_305, %dma_wait3A_312] : memref<819200x32xf32, #tpu.memory_space<hbm>> -> memref<1600x32xf32, #tpu.memory_space<hbm>>
        tpu.wait_dma2 semaphore(%run_scoped3A : memref<!tpu.dma_semaphore, #tpu.memory_space<semaphore_mem>>) src(%arg7 : memref<1600x32xf32, #tpu.memory_space<vmem>>) dst(%dma_wait3A_313 : memref<1600x32xf32, #tpu.memory_space<hbm>>)
        tpu.yield
      }) : () -> ()
    }
    %scan3A_291 = arith.constant 8 : i32
    return
  }
}

</mosaic_0001>

<sc_bundles>
// kernel: _sc_gather.3.cloned.1.call-start
scs
__scs_entry_jumppad:
0x0: {  	(pc) =	sbr.rel $0x88, $3  }
0x1: {  	(tag) =	ssettag $0x0;
	lr =	simm.s32 $0x1  }
0x2: {  	[smem:$0x3F9F] =	sst lr;
	_ =	strace $0xD0000000  }
0x3: {  	_ = 	snop  }
0x4: {  	_ = 	snop  }
0x5: {  	_ = 	snop  }
0x6: {  	_ = 	snop  }
0x7: {  	_ = 	snop  }
__scs_overlays_trampoline_lowered:
0x8: {  	[smem:$0x3FAE] =	sst s0  }
0x9: {  	[smem:$0x3FAF] =	sst s1  }
0xa: {  	[smem:$0x3FB0] =	sst s2  }
0xb: {  	[smem:$0x3FB1] =	sst s3  }
0xc: {  	[smem:$0x3FB2] =	sst s4  }
0xd: {  	[smem:$0x3FB3] =	sst s5  }
0xe: {  	[smem:$0x3FB4] =	sst s6  }
0xf: {  	[smem:$0x3FB5] =	sst s7  }
0x10: {  	[smem:$0x3FB6] =	sst s8  }
0x11: {  	[smem:$0x3FB7] =	sst s9;
	s0 =	simm.s32 @!p0 $0x0  }
0x12: {  	s1 =	sld [smem:$0x3F9D];
	s0 =	simm.s32 @p0 $0x1  }
0x13: {  	[smem:$0x3FB8] =	sst s0;
	s0 =	simm.s32 @!p1 $0x0  }
0x14: {  	s2 =	sld [smem:$0x3F9C];
	s0 =	simm.s32 @p1 $0x1  }
0x15: {  	[smem:$0x3FB9] =	sst s0;
	s0 =	simm.s32 @!p2 $0x0  }
0x16: {  	s3 =	sld [smem:$0x3FDB];
	s0 =	simm.s32 @p2 $0x1  }
0x17: {  	s4 =	simm.s32 $0x1BF5;
	[smem:$0x3FBB] =	sst s0  }
0x18: {  	s0 =	sld [smem:$0x3F9E];
	_ =	swait.ge [sflag:s4], $0x0  }
0x19: {  	s7 =	sld [smem:$0x3F9F]  }
0x1a: {  	s8 =	sadd.s32 $0xFFFFE003, lr  }
0x1b: {  	s9 =	sadd.s32 $0xFFFFFEF7, lr;
	s5 =	simm.s32 $0xFFFFFFFF;
	p2 =	slt.u32 s8, $0xFFFFF086  }
0x1c: {  	p1 =	slt.u32 s9, $0xF7A;
	s5 =	simm.s32 @!p2 $0x0  }
0x1d: {  	s5 =	simm.s32 @p1 $0x1;
	p0 =	seq.s32 s7, s2  }
0x1e: {  	s7 =	smul.u32 @!p0 $0xF7A, s2;
	p2 =	seq.s32 @!p0 s5, $0x0  }
0x1f: {  	s9 =	smul.u32 $0xF7A, s1;
	s8 =	simm.s32 @!p0 $0x1BF5;
	p2 =	por !p2, p0  }
0x20: {  	[sflag:s8] =	ssyncset.s32 @!p0 $0xFFFFF086;
	s6 =	sadd.s32 @!p0 s3, s7;
	s7 =	simm.s32 @!p0 $0x108  }
0x21: {  	s3 =	sadd.s32 s3, s9;
	s6 =	sadd.s32 @!p0 $0x88, s6;
	s7 =	simm.s32 @p2 $0x1082  }
0x22: {  	[simem:s7], [sflag:s8] =	dma.local @!p0 [hbm:s6], $0xF7A  }
0x23: {  	s9 =	sor.u32 $0xD0000000, s2;
	s6 =	simm.s32 $0x108;
	_ =	swait.ge @!p0 [sflag:s8], $0x0  }
0x24: {  	s3 =	sadd.s32 $0x88, s3;
	s6 =	simm.s32 @!p1 $0x1082;
	[sflag:s4] =	ssyncset.s32 $0xFFFFF086  }
0x25: {  	[simem:s6], [sflag:s4] =	dma.local [hbm:s3], $0xF7A  }
0x26: {  	[smem:$0x3F9F] =	sst s1;
	(tag) =	ssettag s2;
	_ =	strace s9  }
0x27: {  	s1 =	sld [smem:$0x3FAF]  }
0x28: {  	s2 =	sld [smem:$0x3FB0]  }
0x29: {  	s4 =	sld [smem:$0x3FB2]  }
0x2a: {  	p0 =	seq.s32 s5, $0x0;
	s5 =	sld [smem:$0x3FB3]  }
0x2b: {  	s6 =	sld [smem:$0x3FB4]  }
0x2c: {  	s7 =	sld [smem:$0x3FB5]  }
0x2d: {  	s3 =	simm.s32 $0x108;
	s8 =	sld [smem:$0x3FB6]  }
0x2e: {  	s3 =	simm.s32 @!p0 $0x1082;
	s9 =	sld [smem:$0x3FB7]  }
0x2f: {  	lr =	sadd.s32 s0, s3;
	s0 =	sld [smem:$0x3FAE]  }
0x30: {  	s3 =	sld [smem:$0x3FB1]  }
0x31: {  	[smem:$0x3FBA] =	sst s10  }
0x32: {  	s10 =	sld [smem:$0x3FB8];
	_ =	sdelay $0x3  }
0x33: {  	p0 =	seq.s32 s10, $0x1;
	s10 =	sld [smem:$0x3FBA];
	_ =	sdelay $0x3  }
0x34: {  	[smem:$0x3FBA] =	sst s10  }
0x35: {  	s10 =	sld [smem:$0x3FB9];
	_ =	sdelay $0x3  }
0x36: {  	p1 =	seq.s32 s10, $0x1;
	s10 =	sld [smem:$0x3FBA];
	_ =	sdelay $0x3  }
0x37: {  	[smem:$0x3FBA] =	sst s10  }
0x38: {  	s10 =	sld [smem:$0x3FBB]  }
0x39: {  	_ = 	snop;
	(pc) =	sbr.ind lr, $3  }
0x3a: {  	_ = 	snop  }
0x3b: {  	_ = 	snop  }
0x3c: {  	p2 =	seq.s32 s10, $0x1;
	s10 =	sld [smem:$0x3FBA]  }
0x3d: {  	_ =	shalt  }
0x3e: {  	_ =	shalt  }
0x3f: {  	_ =	shalt  }
0x40: {  	_ =	shalt  }
0x41: {  	_ =	shalt  }
0x42: {  	_ =	shalt  }
0x43: {  	_ =	shalt  }
0x44: {  	_ =	shalt  }
0x45: {  	_ =	shalt  }
0x46: {  	_ =	shalt  }
0x47: {  	_ =	shalt  }
0x48: {  	_ =	shalt  }
0x49: {  	_ =	shalt  }
0x4a: {  	_ =	shalt  }
0x4b: {  	_ =	shalt  }
0x4c: {  	_ =	shalt  }
0x4d: {  	_ =	shalt  }
0x4e: {  	_ =	shalt  }
0x4f: {  	_ =	shalt  }
0x50: {  	_ =	shalt  }
0x51: {  	_ =	shalt  }
0x52: {  	_ =	shalt  }
0x53: {  	_ =	shalt  }
0x54: {  	_ =	shalt  }
0x55: {  	_ =	shalt  }
0x56: {  	_ =	shalt  }
0x57: {  	_ =	shalt  }
0x58: {  	_ =	shalt  }
0x59: {  	_ =	shalt  }
0x5a: {  	_ =	shalt  }
0x5b: {  	_ =	shalt  }
0x5c: {  	_ =	shalt  }
0x5d: {  	_ =	shalt  }
0x5e: {  	_ =	shalt  }
0x5f: {  	_ =	shalt  }
0x60: {  	_ =	shalt  }
0x61: {  	_ =	shalt  }
0x62: {  	_ =	shalt  }
0x63: {  	_ =	shalt  }
0x64: {  	_ =	shalt  }
0x65: {  	_ =	shalt  }
0x66: {  	_ =	shalt  }
0x67: {  	_ =	shalt  }
0x68: {  	_ =	shalt  }
0x69: {  	_ =	shalt  }
0x6a: {  	_ =	shalt  }
0x6b: {  	_ =	shalt  }
0x6c: {  	_ =	shalt  }
0x6d: {  	_ =	shalt  }
0x6e: {  	_ =	shalt  }
0x6f: {  	_ =	shalt  }
0x70: {  	_ =	shalt  }
0x71: {  	_ =	shalt  }
0x72: {  	_ =	shalt  }
0x73: {  	_ =	shalt  }
0x74: {  	_ =	shalt  }
0x75: {  	_ =	shalt  }
0x76: {  	_ =	shalt  }
0x77: {  	_ =	shalt  }
0x78: {  	_ =	shalt  }
0x79: {  	_ =	shalt  }
0x7a: {  	_ =	shalt  }
0x7b: {  	_ =	shalt  }
0x7c: {  	_ =	shalt  }
0x7d: {  	_ =	shalt  }
0x7e: {  	_ =	shalt  }
0x7f: {  	_ =	shalt  }
0x80: {  	_ =	shalt  }
0x81: {  	_ =	shalt  }
0x82: {  	_ =	shalt  }
0x83: {  	_ =	shalt  }
0x84: {  	_ =	shalt  }
0x85: {  	_ =	shalt  }
0x86: {  	_ =	shalt  }
0x87: {  	_ =	shalt  }
.Lfunc_end0:
.L_simem_size_0:
called_computation.1_lowered:
.L_overlay_start_0:
0x88: {  	s2 =	sld [smem:$0x3FD9]  }
0x89: {  	s3 =	sld [smem:$0x3FFE];
	_ =	sdelay $0x1  }
0x8a: {  	s1 =	srdreg.scid  }
0x8b: {  	s0 =	sand.u32 $0x1, s1  }
0x8c: {  	s17 =	sshll.u32 s0, $0xA;
	s2 =	sadd.s32 s3, s2  }
0x8d: {  	s2 =	sadd.s32 s2, s17  }
0x8e: {  	[smem:$0x3FC6] =	sst s2  }
0x8f: {  	_ = 	snop  }
0x90: {  	s2 =	sld [smem:$0x3FC8]  }
0x91: {  	s18 =	sld [smem:$0x3FD0];
	(tm) =	ssettm $0x1  }
0x92: {  	s4 =	sld [smem:$0x3FFB];
	_ =	sdelay $0x3  }
0x93: {  	_ =	strace s4  }
0x94: {  	s4 =	sld [smem:$0x3FFC];
	_ =	sdelay $0x3  }
0x95: {  	_ =	strace s4  }
0x96: {  	s4 =	sld [smem:$0x3FFD];
	_ =	sdelay $0x3  }
0x97: {  	_ =	strace s4  }
0x98: {  	_ =	strace $0x8FFFFFFF  }
0x99: {  	s19 =	sld [smem:$0x3FDB];
	_ =	sdelay $0x1  }
0x9a: {  	s5 =	simm.s32 $_scs_section_size  }
0x9b: {  	s6 =	simm.s32 $_size__tile_overlayer_lowered;
	s7 =	simm.s32 $_tile_overlayer_lowered  }
0x9c: {  	s22 =	simm.s32 $0x1BFF;
	s21 =	sshll.u32 s7, $0x1;
	s4 =	sadd.s32 s5, s19  }
0x9d: {  	s8 =	simm.s32 $0x0;
	s20 =	sshll.u32 s6, $0x1;
	s6 =	sadd.s32 s21, s4  }
0x9e: {  	[timem:s8], [sflag:s22] =	dma.local [hbm:s6], s20  }
0x9f: {  	_ =	swait.ge [sflag:s22], s20  }
0xa0: {  	s5 =	ssub.s32 $0x0, s20;
	[sflag:s22] =	ssyncset.done $0x0  }
0xa1: {  	[sflag:s22] =	ssyncadd.s32 s5;
	_ =	sdelay $0x1  }
0xa2: {  	s23 =	simm.s32 $0x1B8B  }
0xa3: {  	_ =	swait.ge [sflag:s23], $0x1  }
0xa4: {  	[sflag:s23] =	ssyncset.done $0x0  }
0xa5: {  	s25 =	simm.s32 $0x1B8E;
	s24 =	sld [smem:$0x3FFE];
	[sflag:s23] =	ssyncadd.s32 $0xFFFFFFFF  }
0xa6: {  	s26 =	simm.s32 $execute0_lowered;
	[smem:$0x3FD2] =	sst s25  }
0xa7: {  	s6 =	sshll.u32 s26, $0x1;
	_ =	strace $0x80000046;
	[dreg:$0x1] =	wrdreg $0xFFFFFFFF  }
0xa8: {  	s28 =	simm.s32 $_size_execute0_lowered;
	s4 =	sadd.s32 s4, s6;
	[dreg:$0x0] =	wrdreg $0x0  }
0xa9: {  	s6 =	sshll.u32 s28, $0x1;
	[dreg:$0x2] =	wrdreg s4  }
0xaa: {  	[dreg:$0x3] =	wrdreg s6  }
0xab: {  	[dreg:$0x4] =	wrdreg $0xC0  }
0xac: {  	_ =	task [dreg:s8], $0x5FFFF  }
0xad: {  	[dreg:$0x1] =	wrdreg $0xFFFFFFFF  }
0xae: {  	[dreg:$0x0] =	wrdreg $0x60  }
0xaf: {  	[dreg:$0x2] =	wrdreg s24  }
0xb0: {  	[dreg:$0x3] =	wrdreg s2  }
0xb1: {  	[dreg:$0x4] =	wrdreg s18  }
0xb2: {  	[dreg:$0x5] =	wrdreg $0x9  }
0xb3: {  	_ =	task.clear_ibuf [dreg:s8], $0x6FFFF;
	_ =	strace $0x90000046  }
0xb4: {  	s29 =	simm.s32 $0x9;
	_ =	strace $0x80000048  }
0xb5: {  	_ =	swait.ge [sflag:s29], $0x1  }
0xb6: {  	[sflag:s29] =	ssyncadd.s32 $0xFFFFFFFF  }
0xb7: {  	_ =	strace $0x90000048  }
0xb8: {  	_ =	sfence  }
0xb9: {  	s30 =	sld [smem:$0x0];
	_ =	sdelay $0x2  }
0xba: {  	s31 =	sshll.u32 s1, $0xD;
	s1 =	sshrl.u32 s1, $0x2  }
0xbb: {  	s3 =	sand.u32 $0x4000, s31;
	s1 =	sadd.s32 s1, s30  }
0xbc: {  	s0 =	sor.u32 s3, s0;
	s1 =	sshll.u32 s1, $0x11  }
0xbd: {  	s0 =	sor.u32 s1, s0  }
0xbe: {  	s0 =	sadd.s32 $0x8F2B, s0  }
0xbf: {  	[sflag:s0] =	ssyncadd.remote.s32 $0x1  }
0xc0: {  	_ =	sfence.sel $0xFFFF  }
0xc1: {  	[dreg:$0x0] =	wrdreg $0xFFFFFFFF;
	(pc) =	sbr.abs _section_cstart, $3  }
0xc2: {  	[dreg:$0x1] =	wrdreg $0xFFFFFFFF  }
0xc3: {  	_ =	task.clear_ibuf [dreg:s8], $0x2FFFF;
	_ =	strace $0x9FFFFFFF  }
0xc4: {  	(tm) =	ssettm $0x7FFFFFFF  }
0xc5: {  	_ =	shalt  }
tec
execute0_lowered:
.L_overlay_start_1:
0x0: {  	(tag) =	ssettag $0x1  }
0x1: {  	v0 =	vimm.s32 $0x380;
	vm0 =	vcmask $0x3700  }
0x2: {  	v1 =	vimm.s32 $0x300;
	vm9 =	vcmask $0x2F00;
	v2 =	vimm.s32 $0x280  }
0x3: {  	vm10 =	vcmask $0x2700;
	v4 =	vimm.s32 $0x180;
	vm11 =	vcmask $0x1700  }
0x4: {  	v5 =	vimm.s32 $0x100;
	v3 =	vlaneseq.u32;
	v6 =	vimm.s32 $0x54329876  }
0x5: {  	vm1 =	vcmask $0xF00;
	v8 =	vimm.s32 $0x80;
	vm12 =	vcmask $0x700  }
0x6: {  	vm13 =	vcmask $0x2F10;
	vm14 =	vcmask $0x3F30;
	v13 =	vimm.s32 $0x31302F2E  }
0x7: {  	v14 =	vimm.s32 $0x98765432;
	v16 =	vimm.s32 $0x2F2E2D2C;
	vm15 =	vcmask $0x1F10  }
0x8: {  	v18 =	vimm.s32 $0x2D2C2B2A;
	v20 =	vimm.s32 $0x2B2A2928;
	v30 =	vimm.s32 $0x27262524  }
0x9: {  	v0 =	vsel vm0, $0x300, v0;
	v1 =	vsel vm9, $0x280, v1;
	v2 =	vsel vm10, $0x200, v2  }
0xa: {  	v7 =	vshrl.u32 v3, $0x3;
	v6 =	vunpack.c.l.s4.s8 v6;
	v4 =	vsel vm11, $0x100, v4  }
0xb: {  	v5 =	vsel vm1, $0x80, v5;
	v24 =	vunpack.c.0.s8.s32 v13;
	v13 =	vimm.s32 $0xB0A0908  }
0xc: {  	s1 =	rddreg [dreg:$0x0];
	v14 =	vunpack.c.l.s4.s8 v14;
	v22 =	vunpack.c.0.s8.s32 v16;
	v25 =	vunpack.c.0.s8.s32 v18  }
0xd: {  	s4 =	rddreg [dreg:$0x1];
	v18 =	vimm.s32 $0x5040302;
	v27 =	vunpack.c.0.s8.s32 v20;
	v20 =	vadd.s32 $0x208, v3  }
0xe: {  	s0 =	rddreg [dreg:$0x2];
	s2 =	simm.s32 $0x0;
	v30 =	vunpack.c.0.s8.s32 v30;
	v31 =	vadd.s32 $0x3A2, v3;
	v7 =	vmul.u32 $0x80, v7  }
0xf: {  	s3 =	srdreg.scid;
	s6 =	stileid.u32;
	s28 =	simm.s32 $0x1;
	v13 =	vunpack.c.0.s8.s32 v13;
	v23 =	vunpack.c.0.s8.s32 v18;
	v18 =	vadd.s32 $0x19A, v3  }
0x10: {  	s29 =	simm.s32 $0x8640;
	s30 =	simm.s32 $0x8C80;
	s31 =	simm.s32 $0x92C0;
	v9 =	vunpack.c.0.s8.s32 v6;
	v6 =	vsel vm12, $0x0, v8;
	v8 =	vimm.s32 $0x1003130  }
0x11: {  	[smem:$0x7FF] =	sst s2;
	s5 =	sand.u32 $0x1, s3;
	s20 =	sshll.u32 s6, $0x1;
	v17 =	vunpack.c.0.s8.s32 v14;
	v14 =	vadd.s32 $0x10C, v3;
	v26 =	vsel vm15, v24, v25  }
0x12: {  	s3 =	sadd.s32 $0xF42C00, s1;
	s6 =	sor.u32 s5, s20;
	s21 =	ssub.s32 $0x2, s5;
	v7 =	vadd.s32 $0x180, v7;
	v21 =	vunpack.c.0.s8.s32 v8;
	v8 =	vimm.s32 $0xD0C0B0A  }
0x13: {  	_ =	strace $0x80000047;
	s22 =	sshll.u32 s6, $0x9;
	s7 =	sshrl.u32 s21, $0x1;
	v9 =	vand.u32 $0xF, v9;
	v10 =	vunpack.c.0.s8.s32 v8;
	v8 =	vimm.s32 $0x32107654  }
0x14: {  	s8 =	smul.u32 $0x19000, s6;
	s6 =	sshll.u32 s6, $0xD;
	s5 =	sor.u32 $0x100, s22;
	v16 =	vand.u32 $0xF, v17;
	v17 =	vimm.s32 $0x76543210;
	v11 =	vsel vm13, v9, v21  }
0x15: {  	s1 =	ssub.s32 s21, s7;
	s6 =	sadd.s32 s4, s6;
	s7 =	simm.s32 $0x0;
	v12 =	vunpack.c.l.s4.s8 v8;
	v8 =	vor.u32 $0x10, v3;
	v9 =	vor.u32 $0x20, v3  }
0x16: {  	s23 =	sshll.u32 s5, $0x4;
	[dreg:$0x4] =	wrdreg s6;
	s6 =	sadd.s32 s0, s8;
	v28 =	vsel vm15, v21, v22;
	v19 =	vunpack.c.l.s4.s8 v17;
	v17 =	vadd.s32 $0x18A, v3  }
0x17: {  	s1 =	smax.u32 s1, $0x1;
	s25 =	smul.u32 $0xC8, s5;
	s5 =	simm.s32 $0xABC0;
	v23 =	vsel vm15, v23, v21;
	v22 =	vsel vm15, v22, v27;
	v21 =	vimm.s32 $0x3020100  }
0x18: {  	s4 =	sadd.s32 s4, s23;
	[dreg:$0x6] =	wrdreg s1;
	s24 =	sadd.s32 $0x1900, s6;
	v10 =	vsel vm14, v10, v11;
	v11 =	vadd.s32 $0x8E, v3;
	v16 =	vcombine.low v28, v16  }
0x19: {  	s26 =	sadd.s32 $0x4B00, s6;
	s10 =	sadd.s32 $0x6400, s6;
	s11 =	sadd.s32 $0x7D00, s6;
	v29 =	vunpack.c.0.s8.s32 v21;
	v12 =	vunpack.c.0.s8.s32 v12;
	v19 =	vunpack.c.0.s8.s32 v19  }
0x1a: {  	s12 =	sadd.s32 $0x9600, s6;
	s13 =	sadd.s32 $0xAF00, s6;
	[dreg:$0x5] =	wrdreg s4;
	v21 =	vadd.s32 $0x218, v3;
	v22 =	vcombine.low v22, v23;
	v23 =	vadd.s32 $0x286, v3  }
0x1b: {  	s15 =	sadd.s32 $0x3200, s6;
	s23 =	simm.s32 $0x2;
	[dreg:$0x7] =	wrdreg s24;
	v15 =	vand.u32 $0xF, v12;
	v19 =	vcombine.low v26, v19;
	v26 =	vimm.s32 $0x29282726  }
0x1c: {  	s1 =	simm.s32 $0x9F40;
	[dreg:$0x8] =	wrdreg s26;
	s14 =	sadd.s32 s0, s25;
	v29 =	vsel vm15, v29, v24;
	v15 =	vsel vm13, v15, v24;
	v26 =	vunpack.c.0.s8.s32 v26  }
0x1d: {  	s24 =	simm.s32 $0x640;
	s25 =	simm.s32 $0x8000;
	s26 =	simm.s32 $0xB200;
	v12 =	vadd.s32 $0x9E, v3;
	v24 =	vadd.s32 $0x296, v3;
	v13 =	vsel vm14, v13, v15  }
0x1e: {  	s0 =	simm.s32 $0x9900;
	s4 =	simm.s32 $0xA580;
	s16 =	sadd.s32 $0x1900, s14;
	v15 =	vadd.s32 $0x11C, v3;
	v25 =	vsel vm15, v25, v26;
	v26 =	vadd.s32 $0x304, v3  }
0x1f: {  	s17 =	sadd.s32 $0x3200, s14;
	s18 =	sadd.s32 $0x4B00, s14;
	s19 =	sadd.s32 $0x6400, s14;
	v25 =	vcombine.low v25, v29;
	v29 =	vsel vm15, v27, v30;
	v27 =	vadd.s32 $0x314, v3  }
0x20: {  	s20 =	sadd.s32 $0x7D00, s14;
	s21 =	sadd.s32 $0x9600, s14;
	s22 =	sadd.s32 $0xAF00, s14;
	v30 =	vadd.s32 $0x392, v3;
	v28 =	vcombine.low v29, v28;
	v29 =	vadd.s32 $0x382, v3  }
.LBB2_1:
0x21: {  	v32 =	vmov s2  }
0x22: {  	v32 =	vshll.u32 v32, $0x7  }
0x23: {  	s8 =	rddreg [dreg:$0x4];
	v33 =	vor.u32 v3, v32  }
0x24: {  	[tilespmem:s2], [sflag:$0x2] =	stream.linear.gather [hbm4b:s8+s2], $0x8000, $0x38;
	[tilespmem:$0x17A00] =	vst v63  }
0x25: {  	_ =	swait.ge [sflag:s23], $0x8000  }
0x26: {  	[sflag:s23] =	ssyncset.done $0x0  }
0x27: {  	[sflag:s23] =	ssyncadd.s32 $0xFFFF8000  }
0x28: {  	v33 =	vld.idx.msk [tilespmem:v33+s2+$0x0], $0xffff  }
0x29: {  	v34 =	vor.u32 v8, v32;
	_ =	sdelay $0x2  }
0x2a: {  	s8 =	simm.s32 $0x80C0  }
0x2b: {  	[tilespmem:s8+$0xFFFFFF40] =	vst v33  }
0x2c: {  	v33 =	vld.idx.msk [tilespmem:v34+s2+$0x0], $0xffff  }
0x2d: {  	v41 =	vor.u32 v9, v32;
	_ =	sdelay $0x3  }
0x2e: {  	[tilespmem:s8+$0xFFFFFF50] =	vst v33  }
0x2f: {  	v42 =	vor.u32 v6, v32;
	v33 =	vld.idx.msk [tilespmem:v41+s2+$0x0], $0xffff  }
0x30: {  	v34 =	vor.u32 v10, v42;
	_ =	sdelay $0x3  }
0x31: {  	[tilespmem:s8+$0xFFFFFF60] =	vst v33  }
0x32: {  	v33 =	vld.idx.msk [tilespmem:v34+s2+$0x0], $0xffff  }
0x33: {  	v43 =	vor.u32 v11, v32;
	_ =	sdelay $0x3  }
0x34: {  	[tilespmem:s8+$0xFFFFFF70] =	vst v33  }
0x35: {  	v33 =	vld.idx.msk [tilespmem:v43+s2+$0x0], $0xffff  }
0x36: {  	v44 =	vor.u32 v12, v32;
	_ =	sdelay $0x3  }
0x37: {  	[tilespmem:s8+$0xFFFFFF80] =	vst v33  }
0x38: {  	v45 =	vor.u32 v5, v32;
	v33 =	vld.idx.msk [tilespmem:v44+s2+$0x0], $0xffff  }
0x39: {  	v34 =	vor.u32 v13, v45;
	_ =	sdelay $0x3  }
0x3a: {  	[tilespmem:s8+$0xFFFFFF90] =	vst v33  }
0x3b: {  	v33 =	vld.idx.msk [tilespmem:v34+s2+$0x0], $0xffff  }
0x3c: {  	v46 =	vor.u32 v14, v32;
	_ =	sdelay $0x3  }
0x3d: {  	[tilespmem:s8+$0xFFFFFFA0] =	vst v33  }
0x3e: {  	v33 =	vld.idx.msk [tilespmem:v46+s2+$0x0], $0xffff  }
0x3f: {  	v47 =	vor.u32 v15, v32;
	_ =	sdelay $0x3  }
0x40: {  	[tilespmem:s8+$0xFFFFFFB0] =	vst v33  }
0x41: {  	v48 =	vor.u32 v4, v32;
	v33 =	vld.idx.msk [tilespmem:v47+s2+$0x0], $0xffff  }
0x42: {  	v34 =	vor.u32 v16, v48;
	_ =	sdelay $0x3  }
0x43: {  	[tilespmem:s8+$0xFFFFFFC0] =	vst v33  }
0x44: {  	v33 =	vld.idx.msk [tilespmem:v34+s2+$0x0], $0xffff  }
0x45: {  	v49 =	vor.u32 v17, v32;
	_ =	sdelay $0x3  }
0x46: {  	[tilespmem:s8+$0xFFFFFFD0] =	vst v33  }
0x47: {  	v33 =	vld.idx.msk [tilespmem:v49+s2+$0x0], $0xffff  }
0x48: {  	v50 =	vor.u32 v18, v32;
	_ =	sdelay $0x3  }
0x49: {  	[tilespmem:s8+$0xFFFFFFE0] =	vst v33  }
0x4a: {  	v51 =	vor.u32 v7, v32;
	v33 =	vld.idx.msk [tilespmem:v50+s2+$0x0], $0xffff  }
0x4b: {  	v34 =	vor.u32 v19, v51;
	_ =	sdelay $0x3  }
0x4c: {  	[tilespmem:s8+$0xFFFFFFF0] =	vst v33  }
0x4d: {  	v33 =	vld.idx.msk [tilespmem:v34+s2+$0x0], $0xffff  }
0x4e: {  	v52 =	vor.u32 v20, v32;
	_ =	sdelay $0x3  }
0x4f: {  	[tilespmem:s8+$0x0] =	vst v33  }
0x50: {  	v33 =	vld.idx.msk [tilespmem:v52+s2+$0x0], $0xffff  }
0x51: {  	v53 =	vor.u32 v21, v32;
	_ =	sdelay $0x3  }
0x52: {  	[tilespmem:s8+$0x10] =	vst v33  }
0x53: {  	v54 =	vor.u32 v2, v32;
	v33 =	vld.idx.msk [tilespmem:v53+s2+$0x0], $0xffff  }
0x54: {  	v34 =	vor.u32 v22, v54;
	_ =	sdelay $0x3  }
0x55: {  	[tilespmem:s8+$0x20] =	vst v33  }
0x56: {  	v33 =	vld.idx.msk [tilespmem:v34+s2+$0x0], $0xffff  }
0x57: {  	v55 =	vor.u32 v23, v32;
	_ =	sdelay $0x3  }
0x58: {  	[tilespmem:s8+$0x30] =	vst v33  }
0x59: {  	v33 =	vld.idx.msk [tilespmem:v55+s2+$0x0], $0xffff  }
0x5a: {  	v56 =	vor.u32 v24, v32;
	_ =	sdelay $0x3  }
0x5b: {  	[tilespmem:s8+$0x40] =	vst v33  }
0x5c: {  	v57 =	vor.u32 v1, v32;
	v33 =	vld.idx.msk [tilespmem:v56+s2+$0x0], $0xffff  }
0x5d: {  	v34 =	vor.u32 v25, v57;
	_ =	sdelay $0x3  }
0x5e: {  	[tilespmem:s8+$0x50] =	vst v33  }
0x5f: {  	v33 =	vld.idx.msk [tilespmem:v34+s2+$0x0], $0xffff  }
0x60: {  	v58 =	vor.u32 v26, v32;
	_ =	sdelay $0x3  }
0x61: {  	[tilespmem:s8+$0x60] =	vst v33  }
0x62: {  	v33 =	vld.idx.msk [tilespmem:v58+s2+$0x0], $0xffff  }
0x63: {  	v59 =	vor.u32 v27, v32;
	_ =	sdelay $0x3  }
0x64: {  	[tilespmem:s8+$0x70] =	vst v33  }
0x65: {  	v60 =	vor.u32 v0, v32;
	v33 =	vld.idx.msk [tilespmem:v59+s2+$0x0], $0xffff  }
0x66: {  	v34 =	vor.u32 v28, v60;
	_ =	sdelay $0x3  }
0x67: {  	[tilespmem:s8+$0x80] =	vst v33  }
0x68: {  	v33 =	vld.idx.msk [tilespmem:v34+s2+$0x0], $0xffff  }
0x69: {  	v61 =	vor.u32 v29, v32;
	_ =	sdelay $0x3  }
0x6a: {  	[tilespmem:s8+$0x90] =	vst v33  }
0x6b: {  	v33 =	vld.idx.msk [tilespmem:v61+s2+$0x0], $0xffff  }
0x6c: {  	v62 =	vor.u32 v30, v32;
	_ =	sdelay $0x3  }
0x6d: {  	[tilespmem:s8+$0xA0] =	vst v33  }
0x6e: {  	v33 =	vld.idx.msk [tilespmem:v62+s2+$0x0], $0xffff  }
0x6f: {  	v63 =	vor.u32 v31, v32;
	_ =	sdelay $0x3  }
0x70: {  	s9 =	simm.s32 $0x8;
	[tilespmem:s8+$0xB0] =	vst v33  }
0x71: {  	v32 =	vmov s9;
	s9 =	simm.s32 $0x10;
	v33 =	vld.idx.msk [tilespmem:v63+s2+$0x0], $0xffff  }
.LBB2_2:
0x72: {  	p0 =	sne.s32 s9, $0xF8;
	v32 =	vshll.u32 v32, $0x7  }
0x73: {  	v34 =	vor.u32 v3, v32;
	_ =	sdelay $0x3  }
0x74: {  	[tilespmem:s8+$0xC0] =	vst v33  }
0x75: {  	v33 =	vld.idx.msk [tilespmem:v34+s2+$0x0], $0xffff;
	_ =	sdelay $0x1  }
0x76: {  	v34 =	vor.u32 v8, v32;
	_ =	sdelay $0x2  }
0x77: {  	s8 =	sadd.s32 $0x190, s8  }
0x78: {  	[tilespmem:s8+$0xFFFFFF40] =	vst v33  }
0x79: {  	v33 =	vld.idx.msk [tilespmem:v34+s2+$0x0], $0xffff;
	_ =	sdelay $0x1  }
0x7a: {  	v34 =	vor.u32 v9, v32;
	_ =	sdelay $0x3  }
0x7b: {  	[tilespmem:s8+$0xFFFFFF50] =	vst v33  }
0x7c: {  	v33 =	vld.idx.msk [tilespmem:v34+s2+$0x0], $0xffff  }
0x7d: {  	v34 =	vor.u32 v6, v32  }
0x7e: {  	v34 =	vor.u32 v10, v34;
	_ =	sdelay $0x3  }
0x7f: {  	[tilespmem:s8+$0xFFFFFF60] =	vst v33  }
0x80: {  	v33 =	vld.idx.msk [tilespmem:v34+s2+$0x0], $0xffff;
	_ =	sdelay $0x1  }
0x81: {  	v34 =	vor.u32 v11, v32;
	_ =	sdelay $0x3  }
0x82: {  	[tilespmem:s8+$0xFFFFFF70] =	vst v33  }
0x83: {  	v33 =	vld.idx.msk [tilespmem:v34+s2+$0x0], $0xffff;
	_ =	sdelay $0x1  }
0x84: {  	v34 =	vor.u32 v12, v32;
	_ =	sdelay $0x3  }
0x85: {  	[tilespmem:s8+$0xFFFFFF80] =	vst v33  }
0x86: {  	v33 =	vld.idx.msk [tilespmem:v34+s2+$0x0], $0xffff  }
0x87: {  	v34 =	vor.u32 v5, v32  }
0x88: {  	v34 =	vor.u32 v13, v34;
	_ =	sdelay $0x3  }
0x89: {  	[tilespmem:s8+$0xFFFFFF90] =	vst v33  }
0x8a: {  	v33 =	vld.idx.msk [tilespmem:v34+s2+$0x0], $0xffff;
	_ =	sdelay $0x1  }
0x8b: {  	v34 =	vor.u32 v14, v32;
	_ =	sdelay $0x3  }
0x8c: {  	[tilespmem:s8+$0xFFFFFFA0] =	vst v33  }
0x8d: {  	v33 =	vld.idx.msk [tilespmem:v34+s2+$0x0], $0xffff;
	_ =	sdelay $0x1  }
0x8e: {  	v34 =	vor.u32 v15, v32;
	_ =	sdelay $0x3  }
0x8f: {  	[tilespmem:s8+$0xFFFFFFB0] =	vst v33  }
0x90: {  	v33 =	vld.idx.msk [tilespmem:v34+s2+$0x0], $0xffff  }
0x91: {  	v34 =	vor.u32 v4, v32  }
0x92: {  	v34 =	vor.u32 v16, v34;
	_ =	sdelay $0x3  }
0x93: {  	[tilespmem:s8+$0xFFFFFFC0] =	vst v33  }
0x94: {  	v33 =	vld.idx.msk [tilespmem:v34+s2+$0x0], $0xffff;
	_ =	sdelay $0x1  }
0x95: {  	v34 =	vor.u32 v17, v32;
	_ =	sdelay $0x3  }
0x96: {  	[tilespmem:s8+$0xFFFFFFD0] =	vst v33  }
0x97: {  	v33 =	vld.idx.msk [tilespmem:v34+s2+$0x0], $0xffff;
	_ =	sdelay $0x1  }
0x98: {  	v34 =	vor.u32 v18, v32;
	_ =	sdelay $0x3  }
0x99: {  	[tilespmem:s8+$0xFFFFFFE0] =	vst v33  }
0x9a: {  	v33 =	vld.idx.msk [tilespmem:v34+s2+$0x0], $0xffff  }
0x9b: {  	v34 =	vor.u32 v7, v32  }
0x9c: {  	v34 =	vor.u32 v19, v34;
	_ =	sdelay $0x3  }
0x9d: {  	[tilespmem:s8+$0xFFFFFFF0] =	vst v33  }
0x9e: {  	v33 =	vld.idx.msk [tilespmem:v34+s2+$0x0], $0xffff;
	_ =	sdelay $0x1  }
0x9f: {  	v34 =	vor.u32 v20, v32;
	_ =	sdelay $0x3  }
0xa0: {  	[tilespmem:s8+$0x0] =	vst v33  }
0xa1: {  	v33 =	vld.idx.msk [tilespmem:v34+s2+$0x0], $0xffff;
	_ =	sdelay $0x1  }
0xa2: {  	v34 =	vor.u32 v21, v32;
	_ =	sdelay $0x3  }
0xa3: {  	[tilespmem:s8+$0x10] =	vst v33  }
0xa4: {  	v33 =	vld.idx.msk [tilespmem:v34+s2+$0x0], $0xffff  }
0xa5: {  	v34 =	vor.u32 v2, v32  }
0xa6: {  	v34 =	vor.u32 v22, v34;
	_ =	sdelay $0x3  }
0xa7: {  	[tilespmem:s8+$0x20] =	vst v33  }
0xa8: {  	v33 =	vld.idx.msk [tilespmem:v34+s2+$0x0], $0xffff;
	_ =	sdelay $0x1  }
0xa9: {  	v34 =	vor.u32 v23, v32;
	_ =	sdelay $0x3  }
0xaa: {  	[tilespmem:s8+$0x30] =	vst v33  }
0xab: {  	v33 =	vld.idx.msk [tilespmem:v34+s2+$0x0], $0xffff;
	_ =	sdelay $0x1  }
0xac: {  	v34 =	vor.u32 v24, v32;
	_ =	sdelay $0x3  }
0xad: {  	[tilespmem:s8+$0x40] =	vst v33  }
0xae: {  	v33 =	vld.idx.msk [tilespmem:v34+s2+$0x0], $0xffff  }
0xaf: {  	v34 =	vor.u32 v1, v32  }
0xb0: {  	v34 =	vor.u32 v25, v34;
	_ =	sdelay $0x3  }
0xb1: {  	[tilespmem:s8+$0x50] =	vst v33  }
0xb2: {  	v33 =	vld.idx.msk [tilespmem:v34+s2+$0x0], $0xffff;
	_ =	sdelay $0x1  }
0xb3: {  	v34 =	vor.u32 v26, v32;
	_ =	sdelay $0x3  }
0xb4: {  	[tilespmem:s8+$0x60] =	vst v33  }
0xb5: {  	v33 =	vld.idx.msk [tilespmem:v34+s2+$0x0], $0xffff;
	_ =	sdelay $0x1  }
0xb6: {  	v34 =	vor.u32 v27, v32;
	_ =	sdelay $0x3  }
0xb7: {  	[tilespmem:s8+$0x70] =	vst v33  }
0xb8: {  	v33 =	vld.idx.msk [tilespmem:v34+s2+$0x0], $0xffff  }
0xb9: {  	v34 =	vor.u32 v0, v32  }
0xba: {  	v34 =	vor.u32 v28, v34;
	_ =	sdelay $0x3  }
0xbb: {  	[tilespmem:s8+$0x80] =	vst v33  }
0xbc: {  	v33 =	vld.idx.msk [tilespmem:v34+s2+$0x0], $0xffff;
	_ =	sdelay $0x1  }
0xbd: {  	v34 =	vor.u32 v29, v32;
	_ =	sdelay $0x3  }
0xbe: {  	[tilespmem:s8+$0x90] =	vst v33  }
0xbf: {  	v33 =	vld.idx.msk [tilespmem:v34+s2+$0x0], $0xffff;
	_ =	sdelay $0x1  }
0xc0: {  	v34 =	vor.u32 v30, v32;
	_ =	sdelay $0x3  }
0xc1: {  	[tilespmem:s8+$0xA0] =	vst v33  }
0xc2: {  	v33 =	vld.idx.msk [tilespmem:v34+s2+$0x0], $0xffff;
	_ =	sdelay $0x1  }
0xc3: {  	v34 =	vor.u32 v31, v32  }
.Ltmp0:
0xc4: {  	(pc) =	sbr.rel @p0 .LBB2_2-.Ltmp0, $3  }
0xc5: {  	_ =	sdelay $0x1  }
0xc6: {  	[tilespmem:s8+$0xB0] =	vst v33  }
0xc7: {  	v32 =	vmov s9;
	s9 =	sadd.s32 $0x8, s9;
	v33 =	vld.idx.msk [tilespmem:v34+s2+$0x0], $0xffff  }
0xc8: {  	v32 =	vshll.u32 v32, $0x7  }
0xc9: {  	v34 =	vor.u32 v3, v32;
	_ =	sdelay $0x3  }
0xca: {  	[tilespmem:s8+$0xC0] =	vst v33  }
0xcb: {  	v33 =	vld.idx.msk [tilespmem:v34+s2+$0x0], $0xffff  }
0xcc: {  	v43 =	vor.u32 v8, v32;
	_ =	sdelay $0x2  }
0xcd: {  	s9 =	sadd.s32 $0x190, s8  }
0xce: {  	[tilespmem:s9+$0xFFFFFF40] =	vst v33  }
0xcf: {  	v33 =	vld.idx.msk [tilespmem:v43+s2+$0x0], $0xffff  }
0xd0: {  	v44 =	vor.u32 v9, v32;
	_ =	sdelay $0x3  }
0xd1: {  	[tilespmem:s9+$0xFFFFFF50] =	vst v33  }
0xd2: {  	v45 =	vor.u32 v6, v32;
	v33 =	vld.idx.msk [tilespmem:v44+s2+$0x0], $0xffff  }
0xd3: {  	v34 =	vor.u32 v10, v45;
	_ =	sdelay $0x3  }
0xd4: {  	[tilespmem:s9+$0xFFFFFF60] =	vst v33  }
0xd5: {  	v33 =	vld.idx.msk [tilespmem:v34+s2+$0x0], $0xffff  }
0xd6: {  	v46 =	vor.u32 v11, v32;
	_ =	sdelay $0x3  }
0xd7: {  	[tilespmem:s9+$0xFFFFFF70] =	vst v33  }
0xd8: {  	v33 =	vld.idx.msk [tilespmem:v46+s2+$0x0], $0xffff  }
0xd9: {  	v47 =	vor.u32 v12, v32;
	_ =	sdelay $0x3  }
0xda: {  	[tilespmem:s9+$0xFFFFFF80] =	vst v33  }
0xdb: {  	v48 =	vor.u32 v5, v32;
	v33 =	vld.idx.msk [tilespmem:v47+s2+$0x0], $0xffff  }
0xdc: {  	v34 =	vor.u32 v13, v48;
	_ =	sdelay $0x3  }
0xdd: {  	[tilespmem:s9+$0xFFFFFF90] =	vst v33  }
0xde: {  	v33 =	vld.idx.msk [tilespmem:v34+s2+$0x0], $0xffff  }
0xdf: {  	v49 =	vor.u32 v14, v32;
	_ =	sdelay $0x3  }
0xe0: {  	[tilespmem:s9+$0xFFFFFFA0] =	vst v33  }
0xe1: {  	v33 =	vld.idx.msk [tilespmem:v49+s2+$0x0], $0xffff  }
0xe2: {  	v50 =	vor.u32 v15, v32;
	_ =	sdelay $0x3  }
0xe3: {  	[tilespmem:s9+$0xFFFFFFB0] =	vst v33  }
0xe4: {  	v51 =	vor.u32 v4, v32;
	v33 =	vld.idx.msk [tilespmem:v50+s2+$0x0], $0xffff  }
0xe5: {  	v34 =	vor.u32 v16, v51;
	_ =	sdelay $0x3  }
0xe6: {  	[tilespmem:s9+$0xFFFFFFC0] =	vst v33  }
0xe7: {  	v33 =	vld.idx.msk [tilespmem:v34+s2+$0x0], $0xffff  }
0xe8: {  	v52 =	vor.u32 v17, v32;
	_ =	sdelay $0x3  }
0xe9: {  	[tilespmem:s9+$0xFFFFFFD0] =	vst v33  }
0xea: {  	v33 =	vld.idx.msk [tilespmem:v52+s2+$0x0], $0xffff  }
0xeb: {  	v53 =	vor.u32 v18, v32;
	_ =	sdelay $0x3  }
0xec: {  	[tilespmem:s9+$0xFFFFFFE0] =	vst v33  }
0xed: {  	v54 =	vor.u32 v7, v32;
	v33 =	vld.idx.msk [tilespmem:v53+s2+$0x0], $0xffff  }
0xee: {  	v34 =	vor.u32 v19, v54;
	_ =	sdelay $0x3  }
0xef: {  	[tilespmem:s9+$0xFFFFFFF0] =	vst v33  }
0xf0: {  	v33 =	vld.idx.msk [tilespmem:v34+s2+$0x0], $0xffff  }
0xf1: {  	v55 =	vor.u32 v20, v32;
	_ =	sdelay $0x3  }
0xf2: {  	[tilespmem:s9+$0x0] =	vst v33  }
0xf3: {  	v33 =	vld.idx.msk [tilespmem:v55+s2+$0x0], $0xffff  }
0xf4: {  	v56 =	vor.u32 v21, v32;
	_ =	sdelay $0x3  }
0xf5: {  	[tilespmem:s9+$0x10] =	vst v33  }
0xf6: {  	v57 =	vor.u32 v2, v32;
	v33 =	vld.idx.msk [tilespmem:v56+s2+$0x0], $0xffff  }
0xf7: {  	v34 =	vor.u32 v22, v57;
	_ =	sdelay $0x3  }
0xf8: {  	[tilespmem:s9+$0x20] =	vst v33  }
0xf9: {  	v33 =	vld.idx.msk [tilespmem:v34+s2+$0x0], $0xffff  }
0xfa: {  	v58 =	vor.u32 v23, v32;
	_ =	sdelay $0x3  }
0xfb: {  	[tilespmem:s9+$0x30] =	vst v33  }
0xfc: {  	v33 =	vld.idx.msk [tilespmem:v58+s2+$0x0], $0xffff  }
0xfd: {  	v59 =	vor.u32 v24, v32;
	_ =	sdelay $0x3  }
0xfe: {  	[tilespmem:s9+$0x40] =	vst v33  }
0xff: {  	v60 =	vor.u32 v1, v32;
	v33 =	vld.idx.msk [tilespmem:v59+s2+$0x0], $0xffff  }
0x100: {  	v34 =	vor.u32 v25, v60;
	_ =	sdelay $0x3  }
0x101: {  	[tilespmem:s9+$0x50] =	vst v33  }
0x102: {  	v33 =	vld.idx.msk [tilespmem:v34+s2+$0x0], $0xffff  }
0x103: {  	v61 =	vor.u32 v26, v32;
	_ =	sdelay $0x3  }
0x104: {  	[tilespmem:s9+$0x60] =	vst v33  }
0x105: {  	v33 =	vld.idx.msk [tilespmem:v61+s2+$0x0], $0xffff  }
0x106: {  	v62 =	vor.u32 v27, v32;
	_ =	sdelay $0x3  }
0x107: {  	[tilespmem:s9+$0x70] =	vst v33  }
0x108: {  	v63 =	vor.u32 v0, v32;
	v33 =	vld.idx.msk [tilespmem:v62+s2+$0x0], $0xffff  }
0x109: {  	v34 =	vor.u32 v28, v63;
	_ =	sdelay $0x3  }
0x10a: {  	[tilespmem:s9+$0x80] =	vst v33  }
0x10b: {  	v33 =	vld.idx.msk [tilespmem:v34+s2+$0x0], $0xffff  }
0x10c: {  	v36 =	vor.u32 v29, v32;
	_ =	sdelay $0x3  }
0x10d: {  	[tilespmem:s9+$0x90] =	vst v33  }
0x10e: {  	v33 =	vld.idx.msk [tilespmem:v36+s2+$0x0], $0xffff  }
0x10f: {  	v37 =	vor.u32 v30, v32;
	_ =	sdelay $0x3  }
0x110: {  	[tilespmem:s9+$0xA0] =	vst v33  }
0x111: {  	v33 =	vld.idx.msk [tilespmem:v37+s2+$0x0], $0xffff  }
0x112: {  	v32 =	vor.u32 v31, v32;
	_ =	sdelay $0x3  }
0x113: {  	[tilespmem:s9+$0xB0] =	vst v33  }
0x114: {  	v32 =	vld.idx.msk [tilespmem:v32+s2+$0x0], $0xffff;
	_ =	sdelay $0x4  }
0x115: {  	[tilespmem:s9+$0xC0] =	vst v32  }
0x116: {  	[tilespmem:s26], [sflag:$0x1] =	stream.indirect.gather [hbm4b:s3+s24], $0x20, s25, s24, $0xb8;
	[tilespmem:$0x17A00] =	vst v63  }
0x117: {  	_ =	swait.ge [sflag:s28], $0xC800  }
0x118: {  	[sflag:s28] =	ssyncset.done $0x0  }
0x119: {  	s8 =	simm.s32 $0x0;
	[sflag:s28] =	ssyncadd.s32 $0xFFFF3800  }
0x11a: {  	[hbm4b:s6+s8] =	stream.linear.scatter [tilespmem:s26], [sflag:$0x2], $0xC800, $0x38;
	[tilespmem:$0x17A00] =	vst v63  }
0x11b: {  	_ =	swait.ge [sflag:s23], $0xC800  }
0x11c: {  	[sflag:s23] =	ssyncset.done $0x0  }
0x11d: {  	[sflag:s23] =	ssyncadd.s32 $0xFFFF3800  }
0x11e: {  	[tilespmem:s26], [sflag:$0x1] =	stream.indirect.gather [hbm4b:s3+s24], $0x20, s29, s24, $0xb8;
	[tilespmem:$0x17A00] =	vst v63  }
0x11f: {  	_ =	swait.ge [sflag:s28], $0xC800  }
0x120: {  	[sflag:s28] =	ssyncset.done $0x0  }
0x121: {  	s9 =	rddreg [dreg:$0x7];
	[sflag:s28] =	ssyncadd.s32 $0xFFFF3800  }
0x122: {  	[hbm4b:s9+s8] =	stream.linear.scatter [tilespmem:s26], [sflag:$0x2], $0xC800, $0x38;
	[tilespmem:$0x17A00] =	vst v63  }
0x123: {  	_ =	swait.ge [sflag:s23], $0xC800  }
0x124: {  	[sflag:s23] =	ssyncset.done $0x0  }
0x125: {  	[sflag:s23] =	ssyncadd.s32 $0xFFFF3800  }
0x126: {  	[tilespmem:s26], [sflag:$0x1] =	stream.indirect.gather [hbm4b:s3+s24], $0x20, s30, s24, $0xb8;
	[tilespmem:$0x17A00] =	vst v63  }
0x127: {  	_ =	swait.ge [sflag:s28], $0xC800  }
0x128: {  	[sflag:s28] =	ssyncset.done $0x0  }
0x129: {  	[sflag:s28] =	ssyncadd.s32 $0xFFFF3800  }
0x12a: {  	[hbm4b:s15+s8] =	stream.linear.scatter [tilespmem:s26], [sflag:$0x2], $0xC800, $0x38;
	[tilespmem:$0x17A00] =	vst v63  }
0x12b: {  	_ =	swait.ge [sflag:s23], $0xC800  }
0x12c: {  	[sflag:s23] =	ssyncset.done $0x0  }
0x12d: {  	[sflag:s23] =	ssyncadd.s32 $0xFFFF3800  }
0x12e: {  	[tilespmem:s26], [sflag:$0x1] =	stream.indirect.gather [hbm4b:s3+s24], $0x20, s31, s24, $0xb8;
	[tilespmem:$0x17A00] =	vst v63  }
0x12f: {  	_ =	swait.ge [sflag:s28], $0xC800  }
0x130: {  	[sflag:s28] =	ssyncset.done $0x0  }
0x131: {  	s9 =	rddreg [dreg:$0x8];
	[sflag:s28] =	ssyncadd.s32 $0xFFFF3800  }
0x132: {  	[hbm4b:s9+s8] =	stream.linear.scatter [tilespmem:s26], [sflag:$0x2], $0xC800, $0x38;
	[tilespmem:$0x17A00] =	vst v63  }
0x133: {  	_ =	swait.ge [sflag:s23], $0xC800  }
0x134: {  	[sflag:s23] =	ssyncset.done $0x0  }
0x135: {  	[sflag:s23] =	ssyncadd.s32 $0xFFFF3800  }
0x136: {  	[tilespmem:s26], [sflag:$0x1] =	stream.indirect.gather [hbm4b:s3+s24], $0x20, s0, s24, $0xb8;
	[tilespmem:$0x17A00] =	vst v63  }
0x137: {  	_ =	swait.ge [sflag:s28], $0xC800  }
0x138: {  	[sflag:s28] =	ssyncset.done $0x0  }
0x139: {  	[sflag:s28] =	ssyncadd.s32 $0xFFFF3800  }
0x13a: {  	[hbm4b:s10+s8] =	stream.linear.scatter [tilespmem:s26], [sflag:$0x2], $0xC800, $0x38;
	[tilespmem:$0x17A00] =	vst v63  }
0x13b: {  	_ =	swait.ge [sflag:s23], $0xC800  }
0x13c: {  	[sflag:s23] =	ssyncset.done $0x0  }
0x13d: {  	[sflag:s23] =	ssyncadd.s32 $0xFFFF3800  }
0x13e: {  	[tilespmem:s26], [sflag:$0x1] =	stream.indirect.gather [hbm4b:s3+s24], $0x20, s1, s24, $0xb8;
	[tilespmem:$0x17A00] =	vst v63  }
0x13f: {  	_ =	swait.ge [sflag:s28], $0xC800  }
0x140: {  	[sflag:s28] =	ssyncset.done $0x0  }
0x141: {  	[sflag:s28] =	ssyncadd.s32 $0xFFFF3800  }
0x142: {  	[hbm4b:s11+s8] =	stream.linear.scatter [tilespmem:s26], [sflag:$0x2], $0xC800, $0x38;
	[tilespmem:$0x17A00] =	vst v63  }
0x143: {  	_ =	swait.ge [sflag:s23], $0xC800  }
0x144: {  	[sflag:s23] =	ssyncset.done $0x0  }
0x145: {  	[sflag:s23] =	ssyncadd.s32 $0xFFFF3800  }
0x146: {  	[tilespmem:s26], [sflag:$0x1] =	stream.indirect.gather [hbm4b:s3+s24], $0x20, s4, s24, $0xb8;
	[tilespmem:$0x17A00] =	vst v63  }
0x147: {  	_ =	swait.ge [sflag:s28], $0xC800  }
0x148: {  	[sflag:s28] =	ssyncset.done $0x0  }
0x149: {  	[sflag:s28] =	ssyncadd.s32 $0xFFFF3800  }
0x14a: {  	[hbm4b:s12+s8] =	stream.linear.scatter [tilespmem:s26], [sflag:$0x2], $0xC800, $0x38;
	[tilespmem:$0x17A00] =	vst v63  }
0x14b: {  	_ =	swait.ge [sflag:s23], $0xC800  }
0x14c: {  	[sflag:s23] =	ssyncset.done $0x0  }
0x14d: {  	[sflag:s23] =	ssyncadd.s32 $0xFFFF3800  }
0x14e: {  	[tilespmem:s26], [sflag:$0x1] =	stream.indirect.gather [hbm4b:s3+s24], $0x20, s5, s24, $0xb8;
	[tilespmem:$0x17A00] =	vst v63  }
0x14f: {  	_ =	swait.ge [sflag:s28], $0xC800  }
0x150: {  	[sflag:s28] =	ssyncset.done $0x0  }
0x151: {  	[sflag:s28] =	ssyncadd.s32 $0xFFFF3800  }
0x152: {  	[hbm4b:s13+s8] =	stream.linear.scatter [tilespmem:s26], [sflag:$0x2], $0xC800, $0x38;
	[tilespmem:$0x17A00] =	vst v63  }
0x153: {  	v38 =	vmov s8;
	_ =	swait.ge [sflag:s23], $0xC800  }
0x154: {  	v32 =	vshll.u32 v38, $0x7;
	[sflag:s23] =	ssyncset.done $0x0  }
0x155: {  	v39 =	vor.u32 v3, v32;
	s9 =	rddreg [dreg:$0x5];
	[sflag:s23] =	ssyncadd.s32 $0xFFFF3800  }
0x156: {  	[tilespmem:s8], [sflag:$0x2] =	stream.linear.gather [hbm4b:s9+s8], $0x8000, $0x38;
	[tilespmem:$0x17A00] =	vst v63  }
0x157: {  	_ =	swait.ge [sflag:s23], $0x8000  }
0x158: {  	[sflag:s23] =	ssyncset.done $0x0  }
0x159: {  	[sflag:s23] =	ssyncadd.s32 $0xFFFF8000  }
0x15a: {  	v33 =	vld.idx.msk [tilespmem:v39+s2+$0x0], $0xffff  }
0x15b: {  	v40 =	vor.u32 v8, v32;
	_ =	sdelay $0x2  }
0x15c: {  	s8 =	simm.s32 $0x80C0  }
0x15d: {  	[tilespmem:s8+$0xFFFFFF40] =	vst v33  }
0x15e: {  	v33 =	vld.idx.msk [tilespmem:v40+s2+$0x0], $0xffff  }
0x15f: {  	v41 =	vor.u32 v9, v32;
	_ =	sdelay $0x3  }
0x160: {  	[tilespmem:s8+$0xFFFFFF50] =	vst v33  }
0x161: {  	v42 =	vor.u32 v6, v32;
	v33 =	vld.idx.msk [tilespmem:v41+s2+$0x0], $0xffff  }
0x162: {  	v34 =	vor.u32 v10, v42;
	_ =	sdelay $0x3  }
0x163: {  	[tilespmem:s8+$0xFFFFFF60] =	vst v33  }
0x164: {  	v33 =	vld.idx.msk [tilespmem:v34+s2+$0x0], $0xffff  }
0x165: {  	v43 =	vor.u32 v11, v32;
	_ =	sdelay $0x3  }
0x166: {  	[tilespmem:s8+$0xFFFFFF70] =	vst v33  }
0x167: {  	v33 =	vld.idx.msk [tilespmem:v43+s2+$0x0], $0xffff  }
0x168: {  	v44 =	vor.u32 v12, v32;
	_ =	sdelay $0x3  }
0x169: {  	[tilespmem:s8+$0xFFFFFF80] =	vst v33  }
0x16a: {  	v45 =	vor.u32 v5, v32;
	v33 =	vld.idx.msk [tilespmem:v44+s2+$0x0], $0xffff  }
0x16b: {  	v34 =	vor.u32 v13, v45;
	_ =	sdelay $0x3  }
0x16c: {  	[tilespmem:s8+$0xFFFFFF90] =	vst v33  }
0x16d: {  	v33 =	vld.idx.msk [tilespmem:v34+s2+$0x0], $0xffff  }
0x16e: {  	v46 =	vor.u32 v14, v32;
	_ =	sdelay $0x3  }
0x16f: {  	[tilespmem:s8+$0xFFFFFFA0] =	vst v33  }
0x170: {  	v33 =	vld.idx.msk [tilespmem:v46+s2+$0x0], $0xffff  }
0x171: {  	v47 =	vor.u32 v15, v32;
	_ =	sdelay $0x3  }
0x172: {  	[tilespmem:s8+$0xFFFFFFB0] =	vst v33  }
0x173: {  	v48 =	vor.u32 v4, v32;
	v33 =	vld.idx.msk [tilespmem:v47+s2+$0x0], $0xffff  }
0x174: {  	v34 =	vor.u32 v16, v48;
	_ =	sdelay $0x3  }
0x175: {  	[tilespmem:s8+$0xFFFFFFC0] =	vst v33  }
0x176: {  	v33 =	vld.idx.msk [tilespmem:v34+s2+$0x0], $0xffff  }
0x177: {  	v49 =	vor.u32 v17, v32;
	_ =	sdelay $0x3  }
0x178: {  	[tilespmem:s8+$0xFFFFFFD0] =	vst v33  }
0x179: {  	v33 =	vld.idx.msk [tilespmem:v49+s2+$0x0], $0xffff  }
0x17a: {  	v50 =	vor.u32 v18, v32;
	_ =	sdelay $0x3  }
0x17b: {  	[tilespmem:s8+$0xFFFFFFE0] =	vst v33  }
0x17c: {  	v51 =	vor.u32 v7, v32;
	v33 =	vld.idx.msk [tilespmem:v50+s2+$0x0], $0xffff  }
0x17d: {  	v34 =	vor.u32 v19, v51;
	_ =	sdelay $0x3  }
0x17e: {  	[tilespmem:s8+$0xFFFFFFF0] =	vst v33  }
0x17f: {  	v33 =	vld.idx.msk [tilespmem:v34+s2+$0x0], $0xffff  }
0x180: {  	v52 =	vor.u32 v20, v32;
	_ =	sdelay $0x3  }
0x181: {  	[tilespmem:s8+$0x0] =	vst v33  }
0x182: {  	v33 =	vld.idx.msk [tilespmem:v52+s2+$0x0], $0xffff  }
0x183: {  	v53 =	vor.u32 v21, v32;
	_ =	sdelay $0x3  }
0x184: {  	[tilespmem:s8+$0x10] =	vst v33  }
0x185: {  	v54 =	vor.u32 v2, v32;
	v33 =	vld.idx.msk [tilespmem:v53+s2+$0x0], $0xffff  }
0x186: {  	v34 =	vor.u32 v22, v54;
	_ =	sdelay $0x3  }
0x187: {  	[tilespmem:s8+$0x20] =	vst v33  }
0x188: {  	v33 =	vld.idx.msk [tilespmem:v34+s2+$0x0], $0xffff  }
0x189: {  	v55 =	vor.u32 v23, v32;
	_ =	sdelay $0x3  }
0x18a: {  	[tilespmem:s8+$0x30] =	vst v33  }
0x18b: {  	v33 =	vld.idx.msk [tilespmem:v55+s2+$0x0], $0xffff  }
0x18c: {  	v56 =	vor.u32 v24, v32;
	_ =	sdelay $0x3  }
0x18d: {  	[tilespmem:s8+$0x40] =	vst v33  }
0x18e: {  	v57 =	vor.u32 v1, v32;
	v33 =	vld.idx.msk [tilespmem:v56+s2+$0x0], $0xffff  }
0x18f: {  	v34 =	vor.u32 v25, v57;
	_ =	sdelay $0x3  }
0x190: {  	[tilespmem:s8+$0x50] =	vst v33  }
0x191: {  	v33 =	vld.idx.msk [tilespmem:v34+s2+$0x0], $0xffff  }
0x192: {  	v58 =	vor.u32 v26, v32;
	_ =	sdelay $0x3  }
0x193: {  	[tilespmem:s8+$0x60] =	vst v33  }
0x194: {  	v33 =	vld.idx.msk [tilespmem:v58+s2+$0x0], $0xffff  }
0x195: {  	v59 =	vor.u32 v27, v32;
	_ =	sdelay $0x3  }
0x196: {  	[tilespmem:s8+$0x70] =	vst v33  }
0x197: {  	v60 =	vor.u32 v0, v32;
	v33 =	vld.idx.msk [tilespmem:v59+s2+$0x0], $0xffff  }
0x198: {  	v34 =	vor.u32 v28, v60;
	_ =	sdelay $0x3  }
0x199: {  	[tilespmem:s8+$0x80] =	vst v33  }
0x19a: {  	v33 =	vld.idx.msk [tilespmem:v34+s2+$0x0], $0xffff  }
0x19b: {  	v61 =	vor.u32 v29, v32;
	_ =	sdelay $0x3  }
0x19c: {  	[tilespmem:s8+$0x90] =	vst v33  }
0x19d: {  	v33 =	vld.idx.msk [tilespmem:v61+s2+$0x0], $0xffff  }
0x19e: {  	v62 =	vor.u32 v30, v32;
	_ =	sdelay $0x3  }
0x19f: {  	[tilespmem:s8+$0xA0] =	vst v33  }
0x1a0: {  	v33 =	vld.idx.msk [tilespmem:v62+s2+$0x0], $0xffff  }
0x1a1: {  	v63 =	vor.u32 v31, v32;
	_ =	sdelay $0x3  }
0x1a2: {  	s9 =	simm.s32 $0x8;
	[tilespmem:s8+$0xB0] =	vst v33  }
0x1a3: {  	v32 =	vmov s9;
	s9 =	simm.s32 $0x10;
	v33 =	vld.idx.msk [tilespmem:v63+s2+$0x0], $0xffff  }
.LBB2_4:
0x1a4: {  	p0 =	sne.s32 s9, $0xF8;
	v32 =	vshll.u32 v32, $0x7  }
0x1a5: {  	v34 =	vor.u32 v3, v32;
	_ =	sdelay $0x3  }
0x1a6: {  	[tilespmem:s8+$0xC0] =	vst v33  }
0x1a7: {  	v33 =	vld.idx.msk [tilespmem:v34+s2+$0x0], $0xffff;
	_ =	sdelay $0x1  }
0x1a8: {  	v34 =	vor.u32 v8, v32;
	_ =	sdelay $0x2  }
0x1a9: {  	s8 =	sadd.s32 $0x190, s8  }
0x1aa: {  	[tilespmem:s8+$0xFFFFFF40] =	vst v33  }
0x1ab: {  	v33 =	vld.idx.msk [tilespmem:v34+s2+$0x0], $0xffff;
	_ =	sdelay $0x1  }
0x1ac: {  	v34 =	vor.u32 v9, v32;
	_ =	sdelay $0x3  }
0x1ad: {  	[tilespmem:s8+$0xFFFFFF50] =	vst v33  }
0x1ae: {  	v33 =	vld.idx.msk [tilespmem:v34+s2+$0x0], $0xffff  }
0x1af: {  	v34 =	vor.u32 v6, v32  }
0x1b0: {  	v34 =	vor.u32 v10, v34;
	_ =	sdelay $0x3  }
0x1b1: {  	[tilespmem:s8+$0xFFFFFF60] =	vst v33  }
0x1b2: {  	v33 =	vld.idx.msk [tilespmem:v34+s2+$0x0], $0xffff;
	_ =	sdelay $0x1  }
0x1b3: {  	v34 =	vor.u32 v11, v32;
	_ =	sdelay $0x3  }
0x1b4: {  	[tilespmem:s8+$0xFFFFFF70] =	vst v33  }
0x1b5: {  	v33 =	vld.idx.msk [tilespmem:v34+s2+$0x0], $0xffff;
	_ =	sdelay $0x1  }
0x1b6: {  	v34 =	vor.u32 v12, v32;
	_ =	sdelay $0x3  }
0x1b7: {  	[tilespmem:s8+$0xFFFFFF80] =	vst v33  }
0x1b8: {  	v33 =	vld.idx.msk [tilespmem:v34+s2+$0x0], $0xffff  }
0x1b9: {  	v34 =	vor.u32 v5, v32  }
0x1ba: {  	v34 =	vor.u32 v13, v34;
	_ =	sdelay $0x3  }
0x1bb: {  	[tilespmem:s8+$0xFFFFFF90] =	vst v33  }
0x1bc: {  	v33 =	vld.idx.msk [tilespmem:v34+s2+$0x0], $0xffff;
	_ =	sdelay $0x1  }
0x1bd: {  	v34 =	vor.u32 v14, v32;
	_ =	sdelay $0x3  }
0x1be: {  	[tilespmem:s8+$0xFFFFFFA0] =	vst v33  }
0x1bf: {  	v33 =	vld.idx.msk [tilespmem:v34+s2+$0x0], $0xffff;
	_ =	sdelay $0x1  }
0x1c0: {  	v34 =	vor.u32 v15, v32;
	_ =	sdelay $0x3  }
0x1c1: {  	[tilespmem:s8+$0xFFFFFFB0] =	vst v33  }
0x1c2: {  	v33 =	vld.idx.msk [tilespmem:v34+s2+$0x0], $0xffff  }
0x1c3: {  	v34 =	vor.u32 v4, v32  }
0x1c4: {  	v34 =	vor.u32 v16, v34;
	_ =	sdelay $0x3  }
0x1c5: {  	[tilespmem:s8+$0xFFFFFFC0] =	vst v33  }
0x1c6: {  	v33 =	vld.idx.msk [tilespmem:v34+s2+$0x0], $0xffff;
	_ =	sdelay $0x1  }
0x1c7: {  	v34 =	vor.u32 v17, v32;
	_ =	sdelay $0x3  }
0x1c8: {  	[tilespmem:s8+$0xFFFFFFD0] =	vst v33  }
0x1c9: {  	v33 =	vld.idx.msk [tilespmem:v34+s2+$0x0], $0xffff;
	_ =	sdelay $0x1  }
0x1ca: {  	v34 =	vor.u32 v18, v32;
	_ =	sdelay $0x3  }
0x1cb: {  	[tilespmem:s8+$0xFFFFFFE0] =	vst v33  }
0x1cc: {  	v33 =	vld.idx.msk [tilespmem:v34+s2+$0x0], $0xffff  }
0x1cd: {  	v34 =	vor.u32 v7, v32  }
0x1ce: {  	v34 =	vor.u32 v19, v34;
	_ =	sdelay $0x3  }
0x1cf: {  	[tilespmem:s8+$0xFFFFFFF0] =	vst v33  }
0x1d0: {  	v33 =	vld.idx.msk [tilespmem:v34+s2+$0x0], $0xffff;
	_ =	sdelay $0x1  }
0x1d1: {  	v34 =	vor.u32 v20, v32;
	_ =	sdelay $0x3  }
0x1d2: {  	[tilespmem:s8+$0x0] =	vst v33  }
0x1d3: {  	v33 =	vld.idx.msk [tilespmem:v34+s2+$0x0], $0xffff;
	_ =	sdelay $0x1  }
0x1d4: {  	v34 =	vor.u32 v21, v32;
	_ =	sdelay $0x3  }
0x1d5: {  	[tilespmem:s8+$0x10] =	vst v33  }
0x1d6: {  	v33 =	vld.idx.msk [tilespmem:v34+s2+$0x0], $0xffff  }
0x1d7: {  	v34 =	vor.u32 v2, v32  }
0x1d8: {  	v34 =	vor.u32 v22, v34;
	_ =	sdelay $0x3  }
0x1d9: {  	[tilespmem:s8+$0x20] =	vst v33  }
0x1da: {  	v33 =	vld.idx.msk [tilespmem:v34+s2+$0x0], $0xffff;
	_ =	sdelay $0x1  }
0x1db: {  	v34 =	vor.u32 v23, v32;
	_ =	sdelay $0x3  }
0x1dc: {  	[tilespmem:s8+$0x30] =	vst v33  }
0x1dd: {  	v33 =	vld.idx.msk [tilespmem:v34+s2+$0x0], $0xffff;
	_ =	sdelay $0x1  }
0x1de: {  	v34 =	vor.u32 v24, v32;
	_ =	sdelay $0x3  }
0x1df: {  	[tilespmem:s8+$0x40] =	vst v33  }
0x1e0: {  	v33 =	vld.idx.msk [tilespmem:v34+s2+$0x0], $0xffff  }
0x1e1: {  	v34 =	vor.u32 v1, v32  }
0x1e2: {  	v34 =	vor.u32 v25, v34;
	_ =	sdelay $0x3  }
0x1e3: {  	[tilespmem:s8+$0x50] =	vst v33  }
0x1e4: {  	v33 =	vld.idx.msk [tilespmem:v34+s2+$0x0], $0xffff;
	_ =	sdelay $0x1  }
0x1e5: {  	v34 =	vor.u32 v26, v32;
	_ =	sdelay $0x3  }
0x1e6: {  	[tilespmem:s8+$0x60] =	vst v33  }
0x1e7: {  	v33 =	vld.idx.msk [tilespmem:v34+s2+$0x0], $0xffff;
	_ =	sdelay $0x1  }
0x1e8: {  	v34 =	vor.u32 v27, v32;
	_ =	sdelay $0x3  }
0x1e9: {  	[tilespmem:s8+$0x70] =	vst v33  }
0x1ea: {  	v33 =	vld.idx.msk [tilespmem:v34+s2+$0x0], $0xffff  }
0x1eb: {  	v34 =	vor.u32 v0, v32  }
0x1ec: {  	v34 =	vor.u32 v28, v34;
	_ =	sdelay $0x3  }
0x1ed: {  	[tilespmem:s8+$0x80] =	vst v33  }
0x1ee: {  	v33 =	vld.idx.msk [tilespmem:v34+s2+$0x0], $0xffff;
	_ =	sdelay $0x1  }
0x1ef: {  	v34 =	vor.u32 v29, v32;
	_ =	sdelay $0x3  }
0x1f0: {  	[tilespmem:s8+$0x90] =	vst v33  }
0x1f1: {  	v33 =	vld.idx.msk [tilespmem:v34+s2+$0x0], $0xffff;
	_ =	sdelay $0x1  }
0x1f2: {  	v34 =	vor.u32 v30, v32;
	_ =	sdelay $0x3  }
0x1f3: {  	[tilespmem:s8+$0xA0] =	vst v33  }
0x1f4: {  	v33 =	vld.idx.msk [tilespmem:v34+s2+$0x0], $0xffff;
	_ =	sdelay $0x1  }
0x1f5: {  	v34 =	vor.u32 v31, v32  }
.Ltmp1:
0x1f6: {  	(pc) =	sbr.rel @p0 .LBB2_4-.Ltmp1, $3  }
0x1f7: {  	_ =	sdelay $0x1  }
0x1f8: {  	[tilespmem:s8+$0xB0] =	vst v33  }
0x1f9: {  	v32 =	vmov s9;
	s9 =	sadd.s32 $0x8, s9;
	v33 =	vld.idx.msk [tilespmem:v34+s2+$0x0], $0xffff  }
0x1fa: {  	v32 =	vshll.u32 v32, $0x7  }
0x1fb: {  	v34 =	vor.u32 v3, v32;
	_ =	sdelay $0x3  }
0x1fc: {  	[tilespmem:s8+$0xC0] =	vst v33  }
0x1fd: {  	v33 =	vld.idx.msk [tilespmem:v34+s2+$0x0], $0xffff  }
0x1fe: {  	v41 =	vor.u32 v8, v32;
	_ =	sdelay $0x2  }
0x1ff: {  	s9 =	sadd.s32 $0x190, s8  }
0x200: {  	[tilespmem:s9+$0xFFFFFF40] =	vst v33  }
0x201: {  	v33 =	vld.idx.msk [tilespmem:v41+s2+$0x0], $0xffff  }
0x202: {  	v42 =	vor.u32 v9, v32;
	_ =	sdelay $0x3  }
0x203: {  	[tilespmem:s9+$0xFFFFFF50] =	vst v33  }
0x204: {  	v43 =	vor.u32 v6, v32;
	v33 =	vld.idx.msk [tilespmem:v42+s2+$0x0], $0xffff  }
0x205: {  	v34 =	vor.u32 v10, v43;
	_ =	sdelay $0x3  }
0x206: {  	[tilespmem:s9+$0xFFFFFF60] =	vst v33  }
0x207: {  	v33 =	vld.idx.msk [tilespmem:v34+s2+$0x0], $0xffff  }
0x208: {  	v44 =	vor.u32 v11, v32;
	_ =	sdelay $0x3  }
0x209: {  	[tilespmem:s9+$0xFFFFFF70] =	vst v33  }
0x20a: {  	v33 =	vld.idx.msk [tilespmem:v44+s2+$0x0], $0xffff  }
0x20b: {  	v45 =	vor.u32 v12, v32;
	_ =	sdelay $0x3  }
0x20c: {  	[tilespmem:s9+$0xFFFFFF80] =	vst v33  }
0x20d: {  	v46 =	vor.u32 v5, v32;
	v33 =	vld.idx.msk [tilespmem:v45+s2+$0x0], $0xffff  }
0x20e: {  	v34 =	vor.u32 v13, v46;
	_ =	sdelay $0x3  }
0x20f: {  	[tilespmem:s9+$0xFFFFFF90] =	vst v33  }
0x210: {  	v33 =	vld.idx.msk [tilespmem:v34+s2+$0x0], $0xffff  }
0x211: {  	v47 =	vor.u32 v14, v32;
	_ =	sdelay $0x3  }
0x212: {  	[tilespmem:s9+$0xFFFFFFA0] =	vst v33  }
0x213: {  	v33 =	vld.idx.msk [tilespmem:v47+s2+$0x0], $0xffff  }
0x214: {  	v48 =	vor.u32 v15, v32;
	_ =	sdelay $0x3  }
0x215: {  	[tilespmem:s9+$0xFFFFFFB0] =	vst v33  }
0x216: {  	v49 =	vor.u32 v4, v32;
	v33 =	vld.idx.msk [tilespmem:v48+s2+$0x0], $0xffff  }
0x217: {  	v34 =	vor.u32 v16, v49;
	_ =	sdelay $0x3  }
0x218: {  	[tilespmem:s9+$0xFFFFFFC0] =	vst v33  }
0x219: {  	v33 =	vld.idx.msk [tilespmem:v34+s2+$0x0], $0xffff  }
0x21a: {  	v50 =	vor.u32 v17, v32;
	_ =	sdelay $0x3  }
0x21b: {  	[tilespmem:s9+$0xFFFFFFD0] =	vst v33  }
0x21c: {  	v33 =	vld.idx.msk [tilespmem:v50+s2+$0x0], $0xffff  }
0x21d: {  	v51 =	vor.u32 v18, v32;
	_ =	sdelay $0x3  }
0x21e: {  	[tilespmem:s9+$0xFFFFFFE0] =	vst v33  }
0x21f: {  	v52 =	vor.u32 v7, v32;
	v33 =	vld.idx.msk [tilespmem:v51+s2+$0x0], $0xffff  }
0x220: {  	v34 =	vor.u32 v19, v52;
	_ =	sdelay $0x3  }
0x221: {  	[tilespmem:s9+$0xFFFFFFF0] =	vst v33  }
0x222: {  	v33 =	vld.idx.msk [tilespmem:v34+s2+$0x0], $0xffff  }
0x223: {  	v53 =	vor.u32 v20, v32;
	_ =	sdelay $0x3  }
0x224: {  	[tilespmem:s9+$0x0] =	vst v33  }
0x225: {  	v33 =	vld.idx.msk [tilespmem:v53+s2+$0x0], $0xffff  }
0x226: {  	v54 =	vor.u32 v21, v32;
	_ =	sdelay $0x3  }
0x227: {  	[tilespmem:s9+$0x10] =	vst v33  }
0x228: {  	v55 =	vor.u32 v2, v32;
	v33 =	vld.idx.msk [tilespmem:v54+s2+$0x0], $0xffff  }
0x229: {  	v34 =	vor.u32 v22, v55;
	_ =	sdelay $0x3  }
0x22a: {  	[tilespmem:s9+$0x20] =	vst v33  }
0x22b: {  	v33 =	vld.idx.msk [tilespmem:v34+s2+$0x0], $0xffff  }
0x22c: {  	v56 =	vor.u32 v23, v32;
	_ =	sdelay $0x3  }
0x22d: {  	[tilespmem:s9+$0x30] =	vst v33  }
0x22e: {  	v33 =	vld.idx.msk [tilespmem:v56+s2+$0x0], $0xffff  }
0x22f: {  	v57 =	vor.u32 v24, v32;
	_ =	sdelay $0x3  }
0x230: {  	[tilespmem:s9+$0x40] =	vst v33  }
0x231: {  	v58 =	vor.u32 v1, v32;
	v33 =	vld.idx.msk [tilespmem:v57+s2+$0x0], $0xffff  }
0x232: {  	v34 =	vor.u32 v25, v58;
	_ =	sdelay $0x3  }
0x233: {  	[tilespmem:s9+$0x50] =	vst v33  }
0x234: {  	v33 =	vld.idx.msk [tilespmem:v34+s2+$0x0], $0xffff  }
0x235: {  	v59 =	vor.u32 v26, v32;
	_ =	sdelay $0x3  }
0x236: {  	[tilespmem:s9+$0x60] =	vst v33  }
0x237: {  	v33 =	vld.idx.msk [tilespmem:v59+s2+$0x0], $0xffff  }
0x238: {  	v60 =	vor.u32 v27, v32;
	_ =	sdelay $0x3  }
0x239: {  	[tilespmem:s9+$0x70] =	vst v33  }
0x23a: {  	v61 =	vor.u32 v0, v32;
	v33 =	vld.idx.msk [tilespmem:v60+s2+$0x0], $0xffff  }
0x23b: {  	v34 =	vor.u32 v28, v61;
	_ =	sdelay $0x3  }
0x23c: {  	[tilespmem:s9+$0x80] =	vst v33  }
0x23d: {  	v33 =	vld.idx.msk [tilespmem:v34+s2+$0x0], $0xffff  }
0x23e: {  	v62 =	vor.u32 v29, v32;
	_ =	sdelay $0x3  }
0x23f: {  	[tilespmem:s9+$0x90] =	vst v33  }
0x240: {  	v33 =	vld.idx.msk [tilespmem:v62+s2+$0x0], $0xffff  }
0x241: {  	v63 =	vor.u32 v30, v32;
	_ =	sdelay $0x3  }
0x242: {  	[tilespmem:s9+$0xA0] =	vst v33  }
0x243: {  	v33 =	vld.idx.msk [tilespmem:v63+s2+$0x0], $0xffff  }
0x244: {  	v32 =	vor.u32 v31, v32;
	_ =	sdelay $0x3  }
0x245: {  	[tilespmem:s9+$0xB0] =	vst v33  }
0x246: {  	v32 =	vld.idx.msk [tilespmem:v32+s2+$0x0], $0xffff;
	_ =	sdelay $0x4  }
0x247: {  	[tilespmem:s9+$0xC0] =	vst v32  }
0x248: {  	[tilespmem:s26], [sflag:$0x1] =	stream.indirect.gather [hbm4b:s3+s24], $0x20, s25, s24, $0xb8;
	[tilespmem:$0x17A00] =	vst v63  }
0x249: {  	_ =	swait.ge [sflag:s28], $0xC800  }
0x24a: {  	[sflag:s28] =	ssyncset.done $0x0  }
0x24b: {  	[sflag:s28] =	ssyncadd.s32 $0xFFFF3800  }
0x24c: {  	[hbm4b:s14+s2] =	stream.linear.scatter [tilespmem:s26], [sflag:$0x2], $0xC800, $0x38;
	[tilespmem:$0x17A00] =	vst v63  }
0x24d: {  	_ =	swait.ge [sflag:s23], $0xC800  }
0x24e: {  	[sflag:s23] =	ssyncset.done $0x0  }
0x24f: {  	[sflag:s23] =	ssyncadd.s32 $0xFFFF3800  }
0x250: {  	[tilespmem:s26], [sflag:$0x1] =	stream.indirect.gather [hbm4b:s3+s24], $0x20, s29, s24, $0xb8;
	[tilespmem:$0x17A00] =	vst v63  }
0x251: {  	_ =	swait.ge [sflag:s28], $0xC800  }
0x252: {  	[sflag:s28] =	ssyncset.done $0x0  }
0x253: {  	[sflag:s28] =	ssyncadd.s32 $0xFFFF3800  }
0x254: {  	[hbm4b:s16+s2] =	stream.linear.scatter [tilespmem:s26], [sflag:$0x2], $0xC800, $0x38;
	[tilespmem:$0x17A00] =	vst v63  }
0x255: {  	_ =	swait.ge [sflag:s23], $0xC800  }
0x256: {  	[sflag:s23] =	ssyncset.done $0x0  }
0x257: {  	[sflag:s23] =	ssyncadd.s32 $0xFFFF3800  }
0x258: {  	[tilespmem:s26], [sflag:$0x1] =	stream.indirect.gather [hbm4b:s3+s24], $0x20, s30, s24, $0xb8;
	[tilespmem:$0x17A00] =	vst v63  }
0x259: {  	_ =	swait.ge [sflag:s28], $0xC800  }
0x25a: {  	[sflag:s28] =	ssyncset.done $0x0  }
0x25b: {  	[sflag:s28] =	ssyncadd.s32 $0xFFFF3800  }
0x25c: {  	[hbm4b:s17+s2] =	stream.linear.scatter [tilespmem:s26], [sflag:$0x2], $0xC800, $0x38;
	[tilespmem:$0x17A00] =	vst v63  }
0x25d: {  	_ =	swait.ge [sflag:s23], $0xC800  }
0x25e: {  	[sflag:s23] =	ssyncset.done $0x0  }
0x25f: {  	[sflag:s23] =	ssyncadd.s32 $0xFFFF3800  }
0x260: {  	[tilespmem:s26], [sflag:$0x1] =	stream.indirect.gather [hbm4b:s3+s24], $0x20, s31, s24, $0xb8;
	[tilespmem:$0x17A00] =	vst v63  }
0x261: {  	_ =	swait.ge [sflag:s28], $0xC800  }
0x262: {  	[sflag:s28] =	ssyncset.done $0x0  }
0x263: {  	[sflag:s28] =	ssyncadd.s32 $0xFFFF3800  }
0x264: {  	[hbm4b:s18+s2] =	stream.linear.scatter [tilespmem:s26], [sflag:$0x2], $0xC800, $0x38;
	[tilespmem:$0x17A00] =	vst v63  }
0x265: {  	_ =	swait.ge [sflag:s23], $0xC800  }
0x266: {  	[sflag:s23] =	ssyncset.done $0x0  }
0x267: {  	[sflag:s23] =	ssyncadd.s32 $0xFFFF3800  }
0x268: {  	[tilespmem:s26], [sflag:$0x1] =	stream.indirect.gather [hbm4b:s3+s24], $0x20, s0, s24, $0xb8;
	[tilespmem:$0x17A00] =	vst v63  }
0x269: {  	_ =	swait.ge [sflag:s28], $0xC800  }
0x26a: {  	[sflag:s28] =	ssyncset.done $0x0  }
0x26b: {  	[sflag:s28] =	ssyncadd.s32 $0xFFFF3800  }
0x26c: {  	[hbm4b:s19+s2] =	stream.linear.scatter [tilespmem:s26], [sflag:$0x2], $0xC800, $0x38;
	[tilespmem:$0x17A00] =	vst v63  }
0x26d: {  	_ =	swait.ge [sflag:s23], $0xC800  }
0x26e: {  	[sflag:s23] =	ssyncset.done $0x0  }
0x26f: {  	[sflag:s23] =	ssyncadd.s32 $0xFFFF3800  }
0x270: {  	[tilespmem:s26], [sflag:$0x1] =	stream.indirect.gather [hbm4b:s3+s24], $0x20, s1, s24, $0xb8;
	[tilespmem:$0x17A00] =	vst v63  }
0x271: {  	_ =	swait.ge [sflag:s28], $0xC800  }
0x272: {  	[sflag:s28] =	ssyncset.done $0x0  }
0x273: {  	[sflag:s28] =	ssyncadd.s32 $0xFFFF3800  }
0x274: {  	[hbm4b:s20+s2] =	stream.linear.scatter [tilespmem:s26], [sflag:$0x2], $0xC800, $0x38;
	[tilespmem:$0x17A00] =	vst v63  }
0x275: {  	_ =	swait.ge [sflag:s23], $0xC800  }
0x276: {  	[sflag:s23] =	ssyncset.done $0x0  }
0x277: {  	[sflag:s23] =	ssyncadd.s32 $0xFFFF3800  }
0x278: {  	[tilespmem:s26], [sflag:$0x1] =	stream.indirect.gather [hbm4b:s3+s24], $0x20, s4, s24, $0xb8;
	[tilespmem:$0x17A00] =	vst v63  }
0x279: {  	_ =	swait.ge [sflag:s28], $0xC800  }
0x27a: {  	[sflag:s28] =	ssyncset.done $0x0  }
0x27b: {  	[sflag:s28] =	ssyncadd.s32 $0xFFFF3800  }
0x27c: {  	[hbm4b:s21+s2] =	stream.linear.scatter [tilespmem:s26], [sflag:$0x2], $0xC800, $0x38;
	[tilespmem:$0x17A00] =	vst v63  }
0x27d: {  	_ =	swait.ge [sflag:s23], $0xC800  }
0x27e: {  	[sflag:s23] =	ssyncset.done $0x0  }
0x27f: {  	[sflag:s23] =	ssyncadd.s32 $0xFFFF3800  }
0x280: {  	[tilespmem:s26], [sflag:$0x1] =	stream.indirect.gather [hbm4b:s3+s24], $0x20, s5, s24, $0xb8;
	[tilespmem:$0x17A00] =	vst v63  }
0x281: {  	_ =	swait.ge [sflag:s28], $0xC800  }
0x282: {  	[sflag:s28] =	ssyncset.done $0x0  }
0x283: {  	[sflag:s28] =	ssyncadd.s32 $0xFFFF3800  }
0x284: {  	[hbm4b:s22+s2] =	stream.linear.scatter [tilespmem:s26], [sflag:$0x2], $0xC800, $0x38;
	[tilespmem:$0x17A00] =	vst v63  }
0x285: {  	_ =	swait.ge [sflag:s23], $0xC800  }
0x286: {  	s7 =	sadd.s32 $0x1, s7;
	s9 =	rddreg [dreg:$0x6]  }
0x287: {  	p0 =	sne.s32 s7, s9  }
.Ltmp2:
0x288: {  	_ = 	snop;
	(pc) =	sbr.rel @p0 .LBB2_1-.Ltmp2, $3  }
0x289: {  	_ =	sdelay $0x1  }
0x28a: {  	[sflag:s23] =	ssyncset.done $0x0  }
0x28b: {  	[sflag:s23] =	ssyncadd.s32 $0xFFFF3800  }
0x28c: {  	_ =	sfence.sel $0x180000  }
0x28d: {  	[bflag:$0x0] =	sbarrier.arrive $0xFFFF  }
0x28e: {  	_ =	strace $0x90000047  }
0x28f: {  	s0 =	stileid.u32;
	[bflag:$0x2] =	sbarrier.arrive $0xFFFF  }
0x290: {  	p0 =	sne.s32 s0, $0x0;
	s0 =	rddreg [dreg:$0x3]  }
0x291: {  	s0 =	sadd.s32 @!p0 $0x100000, s0  }
0x292: {  	[sflag:s0] =	ssyncadd.tile.s32 @!p0 $0x1;
	_ =	shalt  }
.Lfunc_end2:
_tile_overlayer_lowered:
.L_overlay_start_2:
0x293: {  	(tag) =	ssettag $0x2  }
0x294: {  	s0 =	rddreg [dreg:$0x0];
	s2 =	stileid.u32  }
0x295: {  	s1 =	rddreg [dreg:$0x1];
	p0 =	sne.s32 s2, $0x0  }
0x296: {  	s3 =	rddreg [dreg:$0x2];
	[bflag:$0x3] =	sbarrier.arrive $0xFFFF;
	s2 =	simm.s32 @!p0 $0x1C02  }
0x297: {  	[timem:s3], [sflag:s2] =	dma.local @!p0 [hbm:s0], s1  }
0x298: {  	s0 =	simm.s32 @!p0 $0x2  }
0x299: {  	_ =	swait.ge @!p0 [sflag:s0], s1  }
0x29a: {  	s1 =	ssub.s32 @!p0 $0x0, s1;
	[sflag:s0] =	ssyncset.done @!p0 $0x0  }
0x29b: {  	[sflag:s0] =	ssyncadd.s32 @!p0 s1  }
0x29c: {  	[bflag:$0x3] =	sbarrier.arrive $0xFFFF  }
0x29d: {  	_ =	shalt  }

// kernel: sparse-core-data-format-call.cloned.1.call-start
scs
called_computation_lowered:
.L_overlay_start_0:
0x0: {  	s2 =	sld [smem:$0x3FD9]  }
0x1: {  	s3 =	sld [smem:$0x3FFE];
	_ =	sdelay $0x1  }
0x2: {  	s1 =	srdreg.scid  }
0x3: {  	s0 =	sand.u32 $0x1, s1  }
0x4: {  	s18 =	sshll.u32 s0, $0xA;
	s2 =	sadd.s32 s3, s2  }
0x5: {  	s2 =	sadd.s32 s2, s18  }
0x6: {  	[smem:$0x3FC6] =	sst s2  }
0x7: {  	_ = 	snop  }
0x8: {  	s2 =	sld [smem:$0x3FD0];
	(tm) =	ssettm $0x1  }
0x9: {  	s19 =	sld [smem:$0x3FFB];
	_ =	sdelay $0x3  }
0xa: {  	_ =	strace s19  }
0xb: {  	s3 =	sld [smem:$0x3FFC];
	_ =	sdelay $0x3  }
0xc: {  	_ =	strace s3  }
0xd: {  	s3 =	sld [smem:$0x3FFD];
	_ =	sdelay $0x3  }
0xe: {  	_ =	strace s3  }
0xf: {  	_ =	strace $0x8FFFFFFF  }
0x10: {  	s20 =	sld [smem:$0x3FDB];
	_ =	sdelay $0x1  }
0x11: {  	s4 =	simm.s32 $_scs_section_size  }
0x12: {  	s5 =	simm.s32 $_size__tile_overlayer_lowered;
	s6 =	simm.s32 $_tile_overlayer_lowered  }
0x13: {  	s23 =	simm.s32 $0x1BFF;
	s22 =	sshll.u32 s6, $0x1;
	s3 =	sadd.s32 s4, s20  }
0x14: {  	s7 =	simm.s32 $0x0;
	s21 =	sshll.u32 s5, $0x1;
	s5 =	sadd.s32 s22, s3  }
0x15: {  	[timem:s7], [sflag:s23] =	dma.local [hbm:s5], s21  }
0x16: {  	_ =	swait.ge [sflag:s23], s21  }
0x17: {  	s4 =	ssub.s32 $0x0, s21;
	[sflag:s23] =	ssyncset.done $0x0  }
0x18: {  	[sflag:s23] =	ssyncadd.s32 s4;
	_ =	sdelay $0x1  }
0x19: {  	s24 =	simm.s32 $0x1B8B  }
0x1a: {  	_ =	swait.ge [sflag:s24], $0x1  }
0x1b: {  	[sflag:s24] =	ssyncset.done $0x0  }
0x1c: {  	s26 =	simm.s32 $0x1B8E;
	s25 =	sld [smem:$0x3FFE];
	[sflag:s24] =	ssyncadd.s32 $0xFFFFFFFF  }
0x1d: {  	s27 =	simm.s32 $execute0_lowered;
	[smem:$0x3FD2] =	sst s26  }
0x1e: {  	s5 =	sshll.u32 s27, $0x1;
	_ =	strace $0x80000049;
	[dreg:$0x1] =	wrdreg $0xFFFFFFFF  }
0x1f: {  	s28 =	simm.s32 $_size_execute0_lowered;
	s3 =	sadd.s32 s3, s5;
	[dreg:$0x0] =	wrdreg $0x0  }
0x20: {  	s5 =	sshll.u32 s28, $0x1;
	[dreg:$0x2] =	wrdreg s3  }
0x21: {  	[dreg:$0x3] =	wrdreg s5  }
0x22: {  	[dreg:$0x4] =	wrdreg $0xC0  }
0x23: {  	_ =	task [dreg:s7], $0x5FFFF  }
0x24: {  	[dreg:$0x1] =	wrdreg $0xFFFFFFFF  }
0x25: {  	[dreg:$0x0] =	wrdreg $0x60  }
0x26: {  	[dreg:$0x2] =	wrdreg s25  }
0x27: {  	[dreg:$0x3] =	wrdreg s2  }
0x28: {  	[dreg:$0x4] =	wrdreg $0x9  }
0x29: {  	_ =	task.clear_ibuf [dreg:s7], $0x5FFFF;
	_ =	strace $0x90000049  }
0x2a: {  	s29 =	simm.s32 $0x9;
	_ =	strace $0x8000004B  }
0x2b: {  	_ =	swait.ge [sflag:s29], $0x1  }
0x2c: {  	[sflag:s29] =	ssyncadd.s32 $0xFFFFFFFF  }
0x2d: {  	_ =	strace $0x9000004B  }
0x2e: {  	_ =	sfence  }
0x2f: {  	s30 =	sld [smem:$0x0];
	_ =	sdelay $0x2  }
0x30: {  	s31 =	sshll.u32 s1, $0xD;
	s1 =	sshrl.u32 s1, $0x2  }
0x31: {  	s3 =	sand.u32 $0x4000, s31;
	s1 =	sadd.s32 s1, s30  }
0x32: {  	s0 =	sor.u32 s3, s0;
	s1 =	sshll.u32 s1, $0x11  }
0x33: {  	s0 =	sor.u32 s1, s0  }
0x34: {  	s0 =	sadd.s32 $0x8F2B, s0  }
0x35: {  	[sflag:s0] =	ssyncadd.remote.s32 $0x1  }
0x36: {  	_ =	sfence.sel $0xFFFF  }
0x37: {  	[dreg:$0x0] =	wrdreg $0xFFFFFFFF;
	(pc) =	sbr.abs _section_cstart, $3  }
0x38: {  	[dreg:$0x1] =	wrdreg $0xFFFFFFFF  }
0x39: {  	_ =	task.clear_ibuf [dreg:s7], $0x2FFFF;
	_ =	strace $0x9FFFFFFF  }
0x3a: {  	(tm) =	ssettm $0x7FFFFFFF  }
0x3b: {  	_ =	shalt  }
tec
execute0_lowered:
.L_overlay_start_1:
0x0: {  	(tag) =	ssettag $0x1  }
0x1: {  	s0 =	srdreg.scid  }
0x2: {  	s1 =	sshll.u32 s0, $0x4  }
0x3: {  	s4 =	rddreg [dreg:$0x0];
	s0 =	stileid.u32;
	s1 =	sand.u32 $0x10, s1  }
0x4: {  	s2 =	rddreg [dreg:$0x1];
	s7 =	simm.s32 $0x1;
	s1 =	sor.u32 s0, s1  }
0x5: {  	s8 =	simm.s32 $0x2;
	s11 =	simm.s32 $0x0;
	s3 =	sshll.u32 s1, $0x7  }
0x6: {  	s10 =	simm.s32 $0x0;
	s4 =	sadd.s32 $0x800, s4;
	s6 =	ssub.s32 $0xC8000, s3  }
.Ltmp0:
0x7: {  	s1 =	rddreg [dreg:$0x2];
	s5 =	sand.u32 $0xF80, s6;
	(pc) =	sbr.rel .LBB1_1-.Ltmp0, $4  }
0x8: {  	_ =	strace $0x8000004A;
	s9 =	smov.u32 s3;
	p0 =	sne.s32 s5, $0x0  }
0x9: {  	s6 =	sshrl.u32 s6, $0xC;
	s5 =	simm.s32 $0x1;
	s7 =	simm.s32 @!p0 $0x0  }
0xa: {  	[sflag:s5] =	ssyncpa.u1 $0x0;
	p0 =	por $0x0, $0x0;
	s6 =	sadd.s32 s7, s6  }
0xb: {  	[sflag:s8] =	ssyncpa.u1 $0x0;
	s8 =	simm.s32 $0x640000;
	s7 =	sadd.s32 $0x1, s6  }
.LBB1_4:
0xc: {  	s14 =	sshll.u32 s11, $0x3  }
0xd: {  	s30 =	sand.u32 $0x7F, s11;
	s15 =	sand.u32 $0xFFFFFC00, s14  }
0xe: {  	s11 =	sor.u32 s30, s15  }
0xf: {  	s15 =	smulhi.u32 $0x51EB851F, s11  }
0x10: {  	s14 =	smulhi.u32 $0x51EB851F, s14  }
0x11: {  	s15 =	sshrl.u32 s15, $0x12  }
0x12: {  	s14 =	sshrl.u32 s14, $0x12;
	s15 =	smul.u32 $0xC8000, s15  }
0x13: {  	s14 =	sand.u32 $0x1F, s14  }
0x14: {  	s14 =	smul.u32 $0x19000, s14;
	s11 =	ssub.s32 s11, s15  }
0x15: {  	s15 =	sand.u32 $0x7, s11  }
0x16: {  	s14 =	sadd.s32 s2, s14;
	s11 =	sshrl.u32 s11, $0x3;
	s15 =	sshll.u32 s15, $0x12  }
0x17: {  	[tilespmem:s13+$0x0 ss:$0x81] =	vst.msk $0xffff, v0;
	s11 =	sadd.s32 s11, s14;
	s31 =	sor.u32 $0x400, s15  }
0x18: {  	[hbm4b:s11+s31] =	stream.strided.scatter [tilespmem:s12], [sflag:$0x2], $0x1000, s8, s31, $0x20;
	[tilespmem:$0x4040] =	vst v63  }
.LBB1_5:
0x19: {  	s13 =	sadd.s32 $0x1000, s9  }
0x1a: {  	p2 =	sgt.s32 s13, $0xC7FFF  }
0x1b: {  	s13 =	smov.u32 @p2 s3;
	p2 =	sne.s32 s10, s7  }
.Ltmp1:
0x1c: {  	p1 =	slt.u32 s10, $0x2;
	(pc) =	sbr.rel @!p2 .LBB1_6-.Ltmp1, $4  }
0x1d: {  	s12 =	simm.s32 @!p1 $0x2  }
0x1e: {  	s14 =	sadd.s32 $0x1, s10;
	_ =	swait.ge @!p1 [sflag:s12], $0x1000  }
0x1f: {  	s11 =	smov.u32 s9;
	p0 =	por !p0, !p0;
	[sflag:s12] =	ssyncset.done @!p1 $0x0  }
0x20: {  	s10 =	smov.u32 s14;
	s9 =	smov.u32 s13;
	[sflag:s12] =	ssyncadd.s32 @!p1 $0xFFFFF000  }
.LBB1_1:
0x21: {  	p1 =	sge.u32 s10, s6  }
0x22: {  	s12 =	sand.u32 @!p1 $0x1FFFFFF, s9  }
0x23: {  	s13 =	smulhi.u32 @!p1 $0x147AE15, s12;
	_ =	sdelay $0x1  }
0x24: {  	s13 =	sshrl.u32 @!p1 s13, $0xC  }
0x25: {  	s13 =	smul.u32 @!p1 $0xC8000, s13;
	_ =	sdelay $0x1  }
0x26: {  	s31 =	sadd.s32 $0xFFFFFFFF, s10;
	s14 =	sxor.u32 @!p1 $0xFFFFFFFF, s10;
	s12 =	ssub.s32 @!p1 s12, s13  }
0x27: {  	s15 =	simm.s32 @!p1 $0x80;
	s14 =	sshll.u32 @!p1 s14, $0xC;
	s12 =	sshll.u32 @!p1 s12, $0x4  }
0x28: {  	s13 =	sand.u32 @!p1 $0x1000, s14;
	s14 =	simm.s32 @!p1 $0x20;
	s12 =	sadd.s32 @!p1 s4, s12  }
0x29: {  	[tilespmem:s13], [sflag:$0x1] =	stream.strided.gather @!p1 [hbm4b:s12+s14], $0x1000, s15, s14, $0x38;
	[tilespmem:$0x4040] =	vst v63  }
0x2a: {  	p1 =	sge.u32 s31, s6  }
.Ltmp2:
0x2b: {  	_ = 	snop;
	(pc) =	sbr.rel @p1 .LBB1_5-.Ltmp2, $1  }
0x2c: {  	_ =	sdelay $0x3  }
0x2d: {  	s12 =	simm.s32 $0x1  }
0x2e: {  	_ =	swait.ge [sflag:s5], $0x1000;
	s12 =	simm.s32 @!p0 $0x0  }
0x2f: {  	[sflag:s5] =	ssyncset.done $0x0;
	s13 =	sshll.u32 s12, $0xC  }
0x30: {  	[sflag:s5] =	ssyncadd.s32 $0xFFFFF000;
	s16 =	sor.u32 $0x10, s13  }
0x31: {  	s12 =	smul.u32 $0x4080, s12;
	v1 =	vld [tilespmem:s16+$0x0]  }
0x32: {  	s30 =	sand.u32 $0x1, s10;
	v0 =	vld [tilespmem:s16+$0xFFFFFFF0]  }
0x33: {  	s13 =	smul.u32 $0x4080, s30;
	s12 =	sshrl.u32 s12, $0x2  }
0x34: {  	s14 =	sor.u32 $0x2000, s12  }
0x35: {  	s31 =	sshrl.u32 s13, $0x2;
	s13 =	sadd.s32 $0x0, s14  }
0x36: {  	s15 =	simm.s32 $0x4;
	s16 =	sadd.s32 $0x20, s16;
	s12 =	sor.u32 $0x2000, s31;
	[tilespmem:s13+$0x810 ss:$0x81] =	vst.msk $0xffff, v1  }
.LBB1_3:
0x37: {  	v1 =	vld [tilespmem:s16+$0x0];
	p1 =	sne.s32 s15, $0x1FC;
	[tilespmem:s13+$0x0 ss:$0x81] =	vst.msk $0xffff, v0;
	s13 =	smov.u32 s15;
	s15 =	sadd.s32 $0x4, s15  }
.Ltmp3:
0x38: {  	v0 =	vld [tilespmem:s16+$0xFFFFFFF0];
	(pc) =	sbr.rel @p1 .LBB1_3-.Ltmp3, $4  }
0x39: {  	_ = 	snop  }
0x3a: {  	s13 =	sshra.s32 s13, $0x2  }
0x3b: {  	s13 =	sadd.s32 s13, s14  }
0x3c: {  	s16 =	sadd.s32 $0x20, s16;
	[tilespmem:s13+$0x810 ss:$0x81] =	vst.msk $0xffff, v1  }
.Ltmp4:
0x3d: {  	_ = 	snop;
	(pc) =	sbr.rel .LBB1_4-.Ltmp4, $1  }
0x3e: {  	_ =	sdelay $0x3  }
.LBB1_6:
0x3f: {  	_ =	sfence.sel $0x180000  }
0x40: {  	s2 =	simm.s32 $0x1;
	[bflag:$0x0] =	sbarrier.arrive $0xFFFF  }
0x41: {  	s31 =	simm.s32 $0x2;
	[sflag:s2] =	ssyncpa.u1 $0x1  }
0x42: {  	[sflag:s31] =	ssyncpa.u1 $0x1  }
0x43: {  	p0 =	sne.s32 s0, $0x0;
	_ =	strace $0x9000004A  }
0x44: {  	s0 =	sadd.s32 @!p0 $0x100000, s1;
	[bflag:$0x2] =	sbarrier.arrive $0xFFFF  }
0x45: {  	[sflag:s0] =	ssyncadd.tile.s32 @!p0 $0x1;
	_ =	shalt  }
.Lfunc_end1:
_tile_overlayer_lowered:
.L_overlay_start_2:
0x46: {  	(tag) =	ssettag $0x2  }
0x47: {  	s0 =	rddreg [dreg:$0x0];
	s2 =	stileid.u32  }
0x48: {  	s1 =	rddreg [dreg:$0x1];
	p0 =	sne.s32 s2, $0x0  }
0x49: {  	s3 =	rddreg [dreg:$0x2];
	[bflag:$0x3] =	sbarrier.arrive $0xFFFF;
	s2 =	simm.s32 @!p0 $0x1C01  }
0x4a: {  	[timem:s3], [sflag:s2] =	dma.local @!p0 [hbm:s0], s1  }
0x4b: {  	s0 =	simm.s32 @!p0 $0x1  }
0x4c: {  	_ =	swait.ge @!p0 [sflag:s0], s1  }
0x4d: {  	s1 =	ssub.s32 @!p0 $0x0, s1;
	[sflag:s0] =	ssyncset.done @!p0 $0x0  }
0x4e: {  	[sflag:s0] =	ssyncadd.s32 @!p0 s1  }
0x4f: {  	[bflag:$0x3] =	sbarrier.arrive $0xFFFF  }
0x50: {  	_ =	shalt  }

</sc_bundles>
